<compile_context>
chip_gen: v7x
topology: tpu7x:2x2x1
jax: 0.10.2.dev20260603
libtpu: 0.0.44.dev20260713+nightly
codegen_flags: <defaults>
</compile_context>

<pallas_src>
import functools

import jax
import jax.numpy as jnp
from jax import lax
from jax.experimental import pallas as pl
from jax.experimental.pallas import tpu as pltpu
from jax.experimental.pallas import tpu_sc as plsc

_B, _N = 1024, 200
_S, _V, _D = 4, 100000, 64
_LANES = 16
_R = _B * _S

_NUM_WORKERS = 32
_BAND = _R // _NUM_WORKERS
_GBUF = 4
_TBUF = 2
_DT = _D // 8
_TILE = _D * _BAND


def _sc_body(idx_hbm, tok_hbm, pos_hbm, out_hbm,
             idx_v, pos_v, stage_v, tile_v, gsem, ssem):
    wid = lax.axis_index("subcore") * 2 + lax.axis_index("core")
    col0 = pl.multiple_of(wid * _BAND, 8)

    pltpu.sync_copy(idx_hbm.at[:, pl.ds(col0, _BAND)], idx_v)
    pltpu.sync_copy(pos_hbm, pos_v)

    iota = lax.iota(jnp.int32, _LANES)
    d_vecs = [iota + db * _LANES for db in range(_D // _LANES)]

    def gather_desc(n, slot):
        return pltpu.make_async_copy(
            tok_hbm.at[idx_v.at[n]],
            stage_v.at[pl.ds(slot * _BAND, _BAND)], gsem.at[slot])

    def store_descs(n, tb):
        return [pltpu.make_async_copy(
            tile_v.at[tb, pl.ds(dt * 8, 8), pl.ds(0, _BAND)],
            out_hbm.at[n, dt, wid], ssem.at[tb]) for dt in range(_DT)]

    for n in range(_GBUF - 1):
        gather_desc(n, n).start()

    def step(n, carry):
        par = lax.rem(n, _GBUF)
        tb = lax.rem(n, _TBUF)
        gather_desc(n, par).wait()

        @pl.when(n >= _TBUF)
        def _():
            for c in store_descs(n, tb):
                c.wait()

        posv = [[pos_v[pl.ds(sv * (_N * _D) + n * _D + db * _LANES,
                             _LANES)]
                 for db in range(_D // _LANES)] for sv in range(_S)]
        tb_spl = jnp.full((_LANES,), tb, jnp.int32)
        base = par * _BAND

        @plsc.parallel_loop(0, _BAND // _S, unroll=1)
        def row4(q):
            r0 = q * _S
            for sv in range(_S):
                r = base + r0 + sv
                r_spl = jnp.full((_LANES,), r0 + sv, jnp.int32)
                for db in range(_D // _LANES):
                    vals = (stage_v[r, pl.ds(db * _LANES, _LANES)]
                            + posv[sv][db])
                    plsc.store_scatter(
                        tile_v, [tb_spl, d_vecs[db], r_spl], vals)

        for c in store_descs(n, tb):
            c.start()

        @pl.when(n + _GBUF - 1 < _N)
        def _():
            gather_desc(n + _GBUF - 1, lax.rem(n + _GBUF - 1, _GBUF)).start()
        return carry

    lax.fori_loop(0, _N, step, 0)

    for c in store_descs(_N - 2, (_N - 2) % _TBUF):
        c.wait()
    for c in store_descs(_N - 1, (_N - 1) % _TBUF):
        c.wait()


_sc_call = functools.partial(
    pl.kernel,
    out_type=jax.ShapeDtypeStruct((_N, _DT, _NUM_WORKERS, 8, _BAND),
                                  jnp.float32),
    mesh=plsc.VectorSubcoreMesh(core_axis_name="core",
                                subcore_axis_name="subcore"),
    scratch_types=[
        pltpu.VMEM((_N, _BAND), jnp.int32),
        pltpu.VMEM((_S * _N * _D,), jnp.float32),
        pltpu.VMEM((_GBUF * _BAND, _D), jnp.float32),
        pltpu.VMEM((_TBUF, _D, _BAND + 1), jnp.float32),
        pltpu.SemaphoreType.DMA((_GBUF,)),
        pltpu.SemaphoreType.DMA((_TBUF,)),
    ],
    compiler_params=pltpu.CompilerParams(use_tc_tiling_on_sc=False,
                                         needs_layout_passes=False),
)(_sc_body)


def kernel(x, token_emb, pos_emb):
    tok_flat = token_emb.reshape(_S * _V, _D)
    offs = jnp.arange(_S, dtype=jnp.int32) * _V
    idx_t = (x.T.astype(jnp.int32)[:, :, None]
             + offs[None, None, :]).reshape(_N, _R)
    pos_flat = pos_emb[:, :_N, :].reshape(_S * _N * _D)
    out_t = _sc_call(idx_t, tok_flat, pos_flat)
    return out_t.transpose(2, 4, 0, 1, 3).reshape(_R, _N, _D)

# --- scband reference (transcript-rebuilt; emitter-appended) ---
"""Pipeline reference for scband-separate-token-and-pos-emb-19481971655344 (READ-ONLY COPY).

The authoritative reference and input builder live on the scoring server;
editing this copy changes nothing except your own understanding.
"""

import jax, jax.numpy as jnp
import numpy as np

B, N = 1024, 200
S, V, D = 4, 100000, 64
MAX_SEQ = 2048

def setup_inputs(seed: int = 0) -> dict:
    key = jax.random.key(seed)
    k1, k2, k3 = jax.random.split(key, 3)
    x = jax.random.randint(k1, (B, N), 0, V)
    token_emb = jax.random.normal(k2, (S, V, D), dtype=jnp.float32) * 0.02
    pos_emb = jax.random.normal(k3, (S, MAX_SEQ, D), dtype=jnp.float32) * 0.02
    return {"x": x, "token_emb": token_emb, "pos_emb": pos_emb}

def reference(x, token_emb, pos_emb):
    b, n = x.shape
    s, v, d = token_emb.shape
    # seq positions (the original module builds arange over the last axis of x)
    seq_len = jnp.arange(n)
    # get_at('s [e] d, b n -> b s n d', token_emb, x):
    # tok[b, s, n, d] = token_emb[s, x[b, n], d]
    tok = jnp.take(token_emb, x, axis=1)            # [s, b, n, d]
    tok = jnp.transpose(tok, (1, 0, 2, 3))          # [b, s, n, d]
    # get_at('s [e] d, n -> s n d', pos_emb, seq_len):
    # pos[s, n, d] = pos_emb[s, seq_len[n], d]
    pos = jnp.take(pos_emb, seq_len, axis=1)        # [s, n, d]
    # einx.add('b s n d, s n d -> (b s) n d', tok, pos)
    out = tok + pos[None, :, :, :]                  # [b, s, n, d]
    return out.reshape(b * s, n, d)

if __name__ == "__main__":
    import jax
    _d = setup_inputs()
    print(jax.jit(kernel)(*tuple(_d.values())))

</pallas_src>

<mosaic_0001>
#map = affine_map<(d0, d1) -> (0, 0)>
#map1 = affine_map<(d0, d1) -> (0)>
#map2 = affine_map<(d0, d1) -> (0, 0, 0, 0, 0)>
module attributes {stable_mosaic.version = 14 : i64} {
  func.func @_sc_body(%arg0: i32, %arg1: i32, %arg2: memref<200x4096xi32, #tpu.memory_space<hbm>>, %arg3: memref<400000x64xf32, #tpu.memory_space<hbm>>, %arg4: memref<51200xf32, #tpu.memory_space<hbm>>, %arg5: memref<200x8x32x8x128xf32, #tpu.memory_space<hbm>>, %arg6: memref<200x128xi32, #tpu.memory_space<vmem>>, %arg7: memref<51200xf32, #tpu.memory_space<vmem>>, %arg8: memref<512x64xf32, #tpu.memory_space<vmem>>, %arg9: memref<2x64x129xf32, #tpu.memory_space<vmem>>, %arg10: memref<4x!tpu.dma_semaphore, #tpu.memory_space<semaphore_mem>>, %arg11: memref<2x!tpu.dma_semaphore, #tpu.memory_space<semaphore_mem>>) attributes {dimension_semantics = [#tpu.dimension_semantics<core_parallel>, #tpu.dimension_semantics<subcore_parallel>], iteration_bounds = array<i64: 2, 16>, scalar_prefetch = 0 : i64, scratch_operands = 6 : i64, tpu.core_type = #tpu.core_type<sc_vector_subcore>, window_params = [{transform_indices = #map}, {transform_indices = #map}, {transform_indices = #map1}, {transform_indices = #map2}]} {
    %mul3A = arith.constant 2 : i32
    %mul3A_0 = arith.muli %arg1, %mul3A : i32
    %add3A = arith.addi %mul3A_0, %arg0 : i32
    %mul3A_1 = arith.constant 128 : i32
    %mul3A_2 = arith.muli %add3A, %mul3A_1 : i32
    %multiple_of3A = tpu.assume_multiple %mul3A_2, 8 : i32
    "tpu.region"() ({
      %run_scoped3A = tpu.sem_alloc : memref<!tpu.dma_semaphore, #tpu.memory_space<semaphore_mem>>
      %dma_start3A_409 = arith.constant 0 : i32
      %dma_start3A_410 = tpu.memref_slice %arg2[%dma_start3A_409, %multiple_of3A] : memref<200x4096xi32, #tpu.memory_space<hbm>> -> memref<200x128xi32, #tpu.memory_space<hbm>>
      %dma_start3A_411 = arith.constant 0 : i32
      %dma_start3A_412 = tpu.memref_slice %arg2[%dma_start3A_411, %multiple_of3A] : memref<200x4096xi32, #tpu.memory_space<hbm>> -> memref<200x128xi32, #tpu.memory_space<hbm>>
      tpu.enqueue_dma source(%dma_start3A_412 : memref<200x128xi32, #tpu.memory_space<hbm>>) target(%arg6 : memref<200x128xi32, #tpu.memory_space<vmem>>) target_semaphore(%run_scoped3A : memref<!tpu.dma_semaphore, #tpu.memory_space<semaphore_mem>>)
      %dma_wait3A_413 = arith.constant 0 : i32
      %dma_wait3A_414 = tpu.memref_slice %arg2[%dma_wait3A_413, %multiple_of3A] : memref<200x4096xi32, #tpu.memory_space<hbm>> -> memref<200x128xi32, #tpu.memory_space<hbm>>
      %dma_wait3A_415 = arith.constant 0 : i32
      %dma_wait3A_416 = tpu.memref_slice %arg2[%dma_wait3A_415, %multiple_of3A] : memref<200x4096xi32, #tpu.memory_space<hbm>> -> memref<200x128xi32, #tpu.memory_space<hbm>>
      tpu.wait_dma2 semaphore(%run_scoped3A : memref<!tpu.dma_semaphore, #tpu.memory_space<semaphore_mem>>) src(%dma_wait3A_416 : memref<200x128xi32, #tpu.memory_space<hbm>>) dst(%arg6 : memref<200x128xi32, #tpu.memory_space<vmem>>)
      tpu.yield
    }) : () -> ()
    "tpu.region"() ({
      %run_scoped3A = tpu.sem_alloc : memref<!tpu.dma_semaphore, #tpu.memory_space<semaphore_mem>>
      tpu.enqueue_dma source(%arg4 : memref<51200xf32, #tpu.memory_space<hbm>>) target(%arg7 : memref<51200xf32, #tpu.memory_space<vmem>>) target_semaphore(%run_scoped3A : memref<!tpu.dma_semaphore, #tpu.memory_space<semaphore_mem>>)
      tpu.wait_dma2 semaphore(%run_scoped3A : memref<!tpu.dma_semaphore, #tpu.memory_space<semaphore_mem>>) src(%arg4 : memref<51200xf32, #tpu.memory_space<hbm>>) dst(%arg7 : memref<51200xf32, #tpu.memory_space<vmem>>)
      tpu.yield
    }) : () -> ()
    %iota3A = tpu.iota {dimensions = array<i32: 0>} : vector<16xi32>
    %add3A_3 = arith.constant 0 : i32
    %add3A_4 = vector.broadcast %add3A_3 : i32 to vector<16xi32>
    %add3A_5 = arith.addi %iota3A, %add3A_4 : vector<16xi32>
    %add3A_6 = arith.constant 16 : i32
    %add3A_7 = vector.broadcast %add3A_6 : i32 to vector<16xi32>
    %add3A_8 = arith.addi %iota3A, %add3A_7 : vector<16xi32>
    %add3A_9 = arith.constant 32 : i32
    %add3A_10 = vector.broadcast %add3A_9 : i32 to vector<16xi32>
    %add3A_11 = arith.addi %iota3A, %add3A_10 : vector<16xi32>
    %add3A_12 = arith.constant 48 : i32
    %add3A_13 = vector.broadcast %add3A_12 : i32 to vector<16xi32>
    %add3A_14 = arith.addi %iota3A, %add3A_13 : vector<16xi32>
    %dma_start3A = arith.constant 0 : i32
    %dma_start3A_15 = arith.constant 0 : i32
    %dma_start3A_16 = arith.constant 0 : i32
    %dma_start3A_17 = arith.constant 0 : i32
    %dma_start3A_18 = tpu.memref_slice %arg8[%dma_start3A_16, %dma_start3A_17] : memref<512x64xf32, #tpu.memory_space<vmem>> -> memref<128x64xf32, #tpu.memory_space<vmem>>
    %dma_start3A_19 = arith.constant 0 : i32
    %dma_start3A_20 = tpu.memref_slice %arg6[%dma_start3A, %dma_start3A_19] : memref<200x128xi32, #tpu.memory_space<vmem>> -> memref<1x128xi32, #tpu.memory_space<vmem>>
    %dma_start3A_21 = tpu.memref_squeeze %dma_start3A_20 : memref<1x128xi32, #tpu.memory_space<vmem>> -> memref<128xi32, #tpu.memory_space<vmem>>
    %dma_start3A_22 = arith.constant 0 : i32
    %dma_start3A_23 = arith.constant 0 : i32
    %dma_start3A_24 = tpu.memref_slice %arg3[%dma_start3A_22, %dma_start3A_23] : memref<400000x64xf32, #tpu.memory_space<hbm>> -> memref<400000x64xf32, #tpu.memory_space<hbm>>
    %dma_start3A_25 = tpu.memref_slice %arg10[%dma_start3A_15] : memref<4x!tpu.dma_semaphore, #tpu.memory_space<semaphore_mem>> -> memref<1x!tpu.dma_semaphore, #tpu.memory_space<semaphore_mem>>
    %dma_start3A_26 = tpu.memref_squeeze %dma_start3A_25 : memref<1x!tpu.dma_semaphore, #tpu.memory_space<semaphore_mem>> -> memref<!tpu.dma_semaphore, #tpu.memory_space<semaphore_mem>>
    tpu.enqueue_indirect_dma source(%dma_start3A_24 : memref<400000x64xf32, #tpu.memory_space<hbm>>) target(%dma_start3A_18 : memref<128x64xf32, #tpu.memory_space<vmem>>) offsets(%dma_start3A_21 : memref<128xi32, #tpu.memory_space<vmem>>) semaphore(%dma_start3A_26 : memref<!tpu.dma_semaphore, #tpu.memory_space<semaphore_mem>>)
    %dma_start3A_27 = arith.constant 1 : i32
    %dma_start3A_28 = arith.constant 1 : i32
    %dma_start3A_29 = arith.constant 128 : i32
    %dma_start3A_30 = arith.constant 0 : i32
    %dma_start3A_31 = tpu.memref_slice %arg8[%dma_start3A_29, %dma_start3A_30] : memref<512x64xf32, #tpu.memory_space<vmem>> -> memref<128x64xf32, #tpu.memory_space<vmem>>
    %dma_start3A_32 = arith.constant 0 : i32
    %dma_start3A_33 = tpu.memref_slice %arg6[%dma_start3A_27, %dma_start3A_32] : memref<200x128xi32, #tpu.memory_space<vmem>> -> memref<1x128xi32, #tpu.memory_space<vmem>>
    %dma_start3A_34 = tpu.memref_squeeze %dma_start3A_33 : memref<1x128xi32, #tpu.memory_space<vmem>> -> memref<128xi32, #tpu.memory_space<vmem>>
    %dma_start3A_35 = arith.constant 0 : i32
    %dma_start3A_36 = arith.constant 0 : i32
    %dma_start3A_37 = tpu.memref_slice %arg3[%dma_start3A_35, %dma_start3A_36] : memref<400000x64xf32, #tpu.memory_space<hbm>> -> memref<400000x64xf32, #tpu.memory_space<hbm>>
    %dma_start3A_38 = tpu.memref_slice %arg10[%dma_start3A_28] : memref<4x!tpu.dma_semaphore, #tpu.memory_space<semaphore_mem>> -> memref<1x!tpu.dma_semaphore, #tpu.memory_space<semaphore_mem>>
    %dma_start3A_39 = tpu.memref_squeeze %dma_start3A_38 : memref<1x!tpu.dma_semaphore, #tpu.memory_space<semaphore_mem>> -> memref<!tpu.dma_semaphore, #tpu.memory_space<semaphore_mem>>
    tpu.enqueue_indirect_dma source(%dma_start3A_37 : memref<400000x64xf32, #tpu.memory_space<hbm>>) target(%dma_start3A_31 : memref<128x64xf32, #tpu.memory_space<vmem>>) offsets(%dma_start3A_34 : memref<128xi32, #tpu.memory_space<vmem>>) semaphore(%dma_start3A_39 : memref<!tpu.dma_semaphore, #tpu.memory_space<semaphore_mem>>)
    %dma_start3A_40 = arith.constant 2 : i32
    %dma_start3A_41 = arith.constant 2 : i32
    %dma_start3A_42 = arith.constant 256 : i32
    %dma_start3A_43 = arith.constant 0 : i32
    %dma_start3A_44 = tpu.memref_slice %arg8[%dma_start3A_42, %dma_start3A_43] : memref<512x64xf32, #tpu.memory_space<vmem>> -> memref<128x64xf32, #tpu.memory_space<vmem>>
    %dma_start3A_45 = arith.constant 0 : i32
    %dma_start3A_46 = tpu.memref_slice %arg6[%dma_start3A_40, %dma_start3A_45] : memref<200x128xi32, #tpu.memory_space<vmem>> -> memref<1x128xi32, #tpu.memory_space<vmem>>
    %dma_start3A_47 = tpu.memref_squeeze %dma_start3A_46 : memref<1x128xi32, #tpu.memory_space<vmem>> -> memref<128xi32, #tpu.memory_space<vmem>>
    %dma_start3A_48 = arith.constant 0 : i32
    %dma_start3A_49 = arith.constant 0 : i32
    %dma_start3A_50 = tpu.memref_slice %arg3[%dma_start3A_48, %dma_start3A_49] : memref<400000x64xf32, #tpu.memory_space<hbm>> -> memref<400000x64xf32, #tpu.memory_space<hbm>>
    %dma_start3A_51 = tpu.memref_slice %arg10[%dma_start3A_41] : memref<4x!tpu.dma_semaphore, #tpu.memory_space<semaphore_mem>> -> memref<1x!tpu.dma_semaphore, #tpu.memory_space<semaphore_mem>>
    %dma_start3A_52 = tpu.memref_squeeze %dma_start3A_51 : memref<1x!tpu.dma_semaphore, #tpu.memory_space<semaphore_mem>> -> memref<!tpu.dma_semaphore, #tpu.memory_space<semaphore_mem>>
    tpu.enqueue_indirect_dma source(%dma_start3A_50 : memref<400000x64xf32, #tpu.memory_space<hbm>>) target(%dma_start3A_44 : memref<128x64xf32, #tpu.memory_space<vmem>>) offsets(%dma_start3A_47 : memref<128xi32, #tpu.memory_space<vmem>>) semaphore(%dma_start3A_52 : memref<!tpu.dma_semaphore, #tpu.memory_space<semaphore_mem>>)
    %scan3A = arith.constant 0 : i32
    %scan3A_53 = arith.constant 0 : i32
    %scan3A_54 = arith.constant 200 : i32
    %scan3A_55 = arith.addi %scan3A_53, %scan3A_54 : i32
    %scan3A_56 = arith.constant 1 : i32
    scf.for %scan3A_409 = %scan3A_53 to %scan3A_55 step %scan3A_56  : i32 {
      %rem3A = arith.constant 4 : i32
      %rem3A_410 = arith.remsi %scan3A_409, %rem3A : i32
      %rem3A_411 = arith.constant 2 : i32
      %rem3A_412 = arith.remsi %scan3A_409, %rem3A_411 : i32
      %mul3A_413 = arith.constant 128 : i32
      %mul3A_414 = arith.muli %rem3A_410, %mul3A_413 : i32
      %dma_wait3A_415 = arith.constant 0 : i32
      %dma_wait3A_416 = tpu.memref_slice %arg8[%mul3A_414, %dma_wait3A_415] : memref<512x64xf32, #tpu.memory_space<vmem>> -> memref<128x64xf32, #tpu.memory_space<vmem>>
      %dma_wait3A_417 = arith.constant 0 : i32
      %dma_wait3A_418 = tpu.memref_slice %arg6[%scan3A_409, %dma_wait3A_417] : memref<200x128xi32, #tpu.memory_space<vmem>> -> memref<1x128xi32, #tpu.memory_space<vmem>>
      %dma_wait3A_419 = tpu.memref_squeeze %dma_wait3A_418 : memref<1x128xi32, #tpu.memory_space<vmem>> -> memref<128xi32, #tpu.memory_space<vmem>>
      %dma_wait3A_420 = arith.constant 0 : i32
      %dma_wait3A_421 = arith.constant 0 : i32
      %dma_wait3A_422 = tpu.memref_slice %arg3[%dma_wait3A_420, %dma_wait3A_421] : memref<400000x64xf32, #tpu.memory_space<hbm>> -> memref<400000x64xf32, #tpu.memory_space<hbm>>
      %dma_wait3A_423 = tpu.memref_slice %arg10[%rem3A_410] : memref<4x!tpu.dma_semaphore, #tpu.memory_space<semaphore_mem>> -> memref<1x!tpu.dma_semaphore, #tpu.memory_space<semaphore_mem>>
      %dma_wait3A_424 = tpu.memref_squeeze %dma_wait3A_423 : memref<1x!tpu.dma_semaphore, #tpu.memory_space<semaphore_mem>> -> memref<!tpu.dma_semaphore, #tpu.memory_space<semaphore_mem>>
      tpu.wait_indirect_dma semaphore(%dma_wait3A_424 : memref<!tpu.dma_semaphore, #tpu.memory_space<semaphore_mem>>) src(%dma_wait3A_422 : memref<400000x64xf32, #tpu.memory_space<hbm>>) dst(%dma_wait3A_416 : memref<128x64xf32, #tpu.memory_space<vmem>>)
      %ge3A = arith.constant 2 : i32
      %ge3A_425 = arith.cmpi sge, %scan3A_409, %ge3A : i32
      %convert_element_type3A = arith.extui %ge3A_425 : i1 to i32
      %cond3A = arith.constant 0 : i32
      %cond3A_426 = arith.cmpi ne, %convert_element_type3A, %cond3A : i32
      scf.if %cond3A_426 {
        %dma_wait3A_717 = arith.constant 0 : i32
        %dma_wait3A_718 = arith.constant 0 : i32
        %dma_wait3A_719 = arith.constant 0 : i32
        %dma_wait3A_720 = tpu.memref_slice %arg9[%rem3A_412, %dma_wait3A_718, %dma_wait3A_719] : memref<2x64x129xf32, #tpu.memory_space<vmem>> -> memref<1x8x128xf32, #tpu.memory_space<vmem>>
        %dma_wait3A_721 = tpu.memref_squeeze %dma_wait3A_720 : memref<1x8x128xf32, #tpu.memory_space<vmem>> -> memref<8x128xf32, #tpu.memory_space<vmem>>
        %dma_wait3A_722 = arith.constant 0 : i32
        %dma_wait3A_723 = arith.constant 0 : i32
        %dma_wait3A_724 = tpu.memref_slice %arg5[%scan3A_409, %dma_wait3A_717, %add3A, %dma_wait3A_722, %dma_wait3A_723] : memref<200x8x32x8x128xf32, #tpu.memory_space<hbm>> -> memref<1x1x1x8x128xf32, #tpu.memory_space<hbm>>
        %dma_wait3A_725 = tpu.memref_squeeze %dma_wait3A_724 : memref<1x1x1x8x128xf32, #tpu.memory_space<hbm>> -> memref<8x128xf32, #tpu.memory_space<hbm>>
        %dma_wait3A_726 = tpu.memref_slice %arg11[%rem3A_412] : memref<2x!tpu.dma_semaphore, #tpu.memory_space<semaphore_mem>> -> memref<1x!tpu.dma_semaphore, #tpu.memory_space<semaphore_mem>>
        %dma_wait3A_727 = tpu.memref_squeeze %dma_wait3A_726 : memref<1x!tpu.dma_semaphore, #tpu.memory_space<semaphore_mem>> -> memref<!tpu.dma_semaphore, #tpu.memory_space<semaphore_mem>>
        %dma_wait3A_728 = arith.constant 0 : i32
        %dma_wait3A_729 = arith.constant 0 : i32
        %dma_wait3A_730 = tpu.memref_slice %arg5[%scan3A_409, %dma_wait3A_717, %add3A, %dma_wait3A_728, %dma_wait3A_729] : memref<200x8x32x8x128xf32, #tpu.memory_space<hbm>> -> memref<1x1x1x8x128xf32, #tpu.memory_space<hbm>>
        %dma_wait3A_731 = tpu.memref_squeeze %dma_wait3A_730 : memref<1x1x1x8x128xf32, #tpu.memory_space<hbm>> -> memref<8x128xf32, #tpu.memory_space<hbm>>
        %dma_wait3A_732 = arith.constant 0 : i32
        %dma_wait3A_733 = arith.constant 0 : i32
        %dma_wait3A_734 = tpu.memref_slice %arg9[%rem3A_412, %dma_wait3A_732, %dma_wait3A_733] : memref<2x64x129xf32, #tpu.memory_space<vmem>> -> memref<1x8x128xf32, #tpu.memory_space<vmem>>
        %dma_wait3A_735 = tpu.memref_squeeze %dma_wait3A_734 : memref<1x8x128xf32, #tpu.memory_space<vmem>> -> memref<8x128xf32, #tpu.memory_space<vmem>>
        tpu.wait_dma2 semaphore(%dma_wait3A_727 : memref<!tpu.dma_semaphore, #tpu.memory_space<semaphore_mem>>) src(%dma_wait3A_735 : memref<8x128xf32, #tpu.memory_space<vmem>>) dst(%dma_wait3A_731 : memref<8x128xf32, #tpu.memory_space<hbm>>)
        %dma_wait3A_736 = arith.constant 1 : i32
        %dma_wait3A_737 = arith.constant 8 : i32
        %dma_wait3A_738 = arith.constant 0 : i32
        %dma_wait3A_739 = tpu.memref_slice %arg9[%rem3A_412, %dma_wait3A_737, %dma_wait3A_738] : memref<2x64x129xf32, #tpu.memory_space<vmem>> -> memref<1x8x128xf32, #tpu.memory_space<vmem>>
        %dma_wait3A_740 = tpu.memref_squeeze %dma_wait3A_739 : memref<1x8x128xf32, #tpu.memory_space<vmem>> -> memref<8x128xf32, #tpu.memory_space<vmem>>
        %dma_wait3A_741 = arith.constant 0 : i32
        %dma_wait3A_742 = arith.constant 0 : i32
        %dma_wait3A_743 = tpu.memref_slice %arg5[%scan3A_409, %dma_wait3A_736, %add3A, %dma_wait3A_741, %dma_wait3A_742] : memref<200x8x32x8x128xf32, #tpu.memory_space<hbm>> -> memref<1x1x1x8x128xf32, #tpu.memory_space<hbm>>
        %dma_wait3A_744 = tpu.memref_squeeze %dma_wait3A_743 : memref<1x1x1x8x128xf32, #tpu.memory_space<hbm>> -> memref<8x128xf32, #tpu.memory_space<hbm>>
        %dma_wait3A_745 = tpu.memref_slice %arg11[%rem3A_412] : memref<2x!tpu.dma_semaphore, #tpu.memory_space<semaphore_mem>> -> memref<1x!tpu.dma_semaphore, #tpu.memory_space<semaphore_mem>>
        %dma_wait3A_746 = tpu.memref_squeeze %dma_wait3A_745 : memref<1x!tpu.dma_semaphore, #tpu.memory_space<semaphore_mem>> -> memref<!tpu.dma_semaphore, #tpu.memory_space<semaphore_mem>>
        %dma_wait3A_747 = arith.constant 0 : i32
        %dma_wait3A_748 = arith.constant 0 : i32
        %dma_wait3A_749 = tpu.memref_slice %arg5[%scan3A_409, %dma_wait3A_736, %add3A, %dma_wait3A_747, %dma_wait3A_748] : memref<200x8x32x8x128xf32, #tpu.memory_space<hbm>> -> memref<1x1x1x8x128xf32, #tpu.memory_space<hbm>>
        %dma_wait3A_750 = tpu.memref_squeeze %dma_wait3A_749 : memref<1x1x1x8x128xf32, #tpu.memory_space<hbm>> -> memref<8x128xf32, #tpu.memory_space<hbm>>
        %dma_wait3A_751 = arith.constant 8 : i32
        %dma_wait3A_752 = arith.constant 0 : i32
        %dma_wait3A_753 = tpu.memref_slice %arg9[%rem3A_412, %dma_wait3A_751, %dma_wait3A_752] : memref<2x64x129xf32, #tpu.memory_space<vmem>> -> memref<1x8x128xf32, #tpu.memory_space<vmem>>
        %dma_wait3A_754 = tpu.memref_squeeze %dma_wait3A_753 : memref<1x8x128xf32, #tpu.memory_space<vmem>> -> memref<8x128xf32, #tpu.memory_space<vmem>>
        tpu.wait_dma2 semaphore(%dma_wait3A_746 : memref<!tpu.dma_semaphore, #tpu.memory_space<semaphore_mem>>) src(%dma_wait3A_754 : memref<8x128xf32, #tpu.memory_space<vmem>>) dst(%dma_wait3A_750 : memref<8x128xf32, #tpu.memory_space<hbm>>)
        %dma_wait3A_755 = arith.constant 2 : i32
        %dma_wait3A_756 = arith.constant 16 : i32
        %dma_wait3A_757 = arith.constant 0 : i32
        %dma_wait3A_758 = tpu.memref_slice %arg9[%rem3A_412, %dma_wait3A_756, %dma_wait3A_757] : memref<2x64x129xf32, #tpu.memory_space<vmem>> -> memref<1x8x128xf32, #tpu.memory_space<vmem>>
        %dma_wait3A_759 = tpu.memref_squeeze %dma_wait3A_758 : memref<1x8x128xf32, #tpu.memory_space<vmem>> -> memref<8x128xf32, #tpu.memory_space<vmem>>
        %dma_wait3A_760 = arith.constant 0 : i32
        %dma_wait3A_761 = arith.constant 0 : i32
        %dma_wait3A_762 = tpu.memref_slice %arg5[%scan3A_409, %dma_wait3A_755, %add3A, %dma_wait3A_760, %dma_wait3A_761] : memref<200x8x32x8x128xf32, #tpu.memory_space<hbm>> -> memref<1x1x1x8x128xf32, #tpu.memory_space<hbm>>
        %dma_wait3A_763 = tpu.memref_squeeze %dma_wait3A_762 : memref<1x1x1x8x128xf32, #tpu.memory_space<hbm>> -> memref<8x128xf32, #tpu.memory_space<hbm>>
        %dma_wait3A_764 = tpu.memref_slice %arg11[%rem3A_412] : memref<2x!tpu.dma_semaphore, #tpu.memory_space<semaphore_mem>> -> memref<1x!tpu.dma_semaphore, #tpu.memory_space<semaphore_mem>>
        %dma_wait3A_765 = tpu.memref_squeeze %dma_wait3A_764 : memref<1x!tpu.dma_semaphore, #tpu.memory_space<semaphore_mem>> -> memref<!tpu.dma_semaphore, #tpu.memory_space<semaphore_mem>>
        %dma_wait3A_766 = arith.constant 0 : i32
        %dma_wait3A_767 = arith.constant 0 : i32
        %dma_wait3A_768 = tpu.memref_slice %arg5[%scan3A_409, %dma_wait3A_755, %add3A, %dma_wait3A_766, %dma_wait3A_767] : memref<200x8x32x8x128xf32, #tpu.memory_space<hbm>> -> memref<1x1x1x8x128xf32, #tpu.memory_space<hbm>>
        %dma_wait3A_769 = tpu.memref_squeeze %dma_wait3A_768 : memref<1x1x1x8x128xf32, #tpu.memory_space<hbm>> -> memref<8x128xf32, #tpu.memory_space<hbm>>
        %dma_wait3A_770 = arith.constant 16 : i32
        %dma_wait3A_771 = arith.constant 0 : i32
        %dma_wait3A_772 = tpu.memref_slice %arg9[%rem3A_412, %dma_wait3A_770, %dma_wait3A_771] : memref<2x64x129xf32, #tpu.memory_space<vmem>> -> memref<1x8x128xf32, #tpu.memory_space<vmem>>
        %dma_wait3A_773 = tpu.memref_squeeze %dma_wait3A_772 : memref<1x8x128xf32, #tpu.memory_space<vmem>> -> memref<8x128xf32, #tpu.memory_space<vmem>>
        tpu.wait_dma2 semaphore(%dma_wait3A_765 : memref<!tpu.dma_semaphore, #tpu.memory_space<semaphore_mem>>) src(%dma_wait3A_773 : memref<8x128xf32, #tpu.memory_space<vmem>>) dst(%dma_wait3A_769 : memref<8x128xf32, #tpu.memory_space<hbm>>)
        %dma_wait3A_774 = arith.constant 3 : i32
        %dma_wait3A_775 = arith.constant 24 : i32
        %dma_wait3A_776 = arith.constant 0 : i32
        %dma_wait3A_777 = tpu.memref_slice %arg9[%rem3A_412, %dma_wait3A_775, %dma_wait3A_776] : memref<2x64x129xf32, #tpu.memory_space<vmem>> -> memref<1x8x128xf32, #tpu.memory_space<vmem>>
        %dma_wait3A_778 = tpu.memref_squeeze %dma_wait3A_777 : memref<1x8x128xf32, #tpu.memory_space<vmem>> -> memref<8x128xf32, #tpu.memory_space<vmem>>
        %dma_wait3A_779 = arith.constant 0 : i32
        %dma_wait3A_780 = arith.constant 0 : i32
        %dma_wait3A_781 = tpu.memref_slice %arg5[%scan3A_409, %dma_wait3A_774, %add3A, %dma_wait3A_779, %dma_wait3A_780] : memref<200x8x32x8x128xf32, #tpu.memory_space<hbm>> -> memref<1x1x1x8x128xf32, #tpu.memory_space<hbm>>
        %dma_wait3A_782 = tpu.memref_squeeze %dma_wait3A_781 : memref<1x1x1x8x128xf32, #tpu.memory_space<hbm>> -> memref<8x128xf32, #tpu.memory_space<hbm>>
        %dma_wait3A_783 = tpu.memref_slice %arg11[%rem3A_412] : memref<2x!tpu.dma_semaphore, #tpu.memory_space<semaphore_mem>> -> memref<1x!tpu.dma_semaphore, #tpu.memory_space<semaphore_mem>>
        %dma_wait3A_784 = tpu.memref_squeeze %dma_wait3A_783 : memref<1x!tpu.dma_semaphore, #tpu.memory_space<semaphore_mem>> -> memref<!tpu.dma_semaphore, #tpu.memory_space<semaphore_mem>>
        %dma_wait3A_785 = arith.constant 0 : i32
        %dma_wait3A_786 = arith.constant 0 : i32
        %dma_wait3A_787 = tpu.memref_slice %arg5[%scan3A_409, %dma_wait3A_774, %add3A, %dma_wait3A_785, %dma_wait3A_786] : memref<200x8x32x8x128xf32, #tpu.memory_space<hbm>> -> memref<1x1x1x8x128xf32, #tpu.memory_space<hbm>>
        %dma_wait3A_788 = tpu.memref_squeeze %dma_wait3A_787 : memref<1x1x1x8x128xf32, #tpu.memory_space<hbm>> -> memref<8x128xf32, #tpu.memory_space<hbm>>
        %dma_wait3A_789 = arith.constant 24 : i32
        %dma_wait3A_790 = arith.constant 0 : i32
        %dma_wait3A_791 = tpu.memref_slice %arg9[%rem3A_412, %dma_wait3A_789, %dma_wait3A_790] : memref<2x64x129xf32, #tpu.memory_space<vmem>> -> memref<1x8x128xf32, #tpu.memory_space<vmem>>
        %dma_wait3A_792 = tpu.memref_squeeze %dma_wait3A_791 : memref<1x8x128xf32, #tpu.memory_space<vmem>> -> memref<8x128xf32, #tpu.memory_space<vmem>>
        tpu.wait_dma2 semaphore(%dma_wait3A_784 : memref<!tpu.dma_semaphore, #tpu.memory_space<semaphore_mem>>) src(%dma_wait3A_792 : memref<8x128xf32, #tpu.memory_space<vmem>>) dst(%dma_wait3A_788 : memref<8x128xf32, #tpu.memory_space<hbm>>)
        %dma_wait3A_793 = arith.constant 4 : i32
        %dma_wait3A_794 = arith.constant 32 : i32
        %dma_wait3A_795 = arith.constant 0 : i32
        %dma_wait3A_796 = tpu.memref_slice %arg9[%rem3A_412, %dma_wait3A_794, %dma_wait3A_795] : memref<2x64x129xf32, #tpu.memory_space<vmem>> -> memref<1x8x128xf32, #tpu.memory_space<vmem>>
        %dma_wait3A_797 = tpu.memref_squeeze %dma_wait3A_796 : memref<1x8x128xf32, #tpu.memory_space<vmem>> -> memref<8x128xf32, #tpu.memory_space<vmem>>
        %dma_wait3A_798 = arith.constant 0 : i32
        %dma_wait3A_799 = arith.constant 0 : i32
        %dma_wait3A_800 = tpu.memref_slice %arg5[%scan3A_409, %dma_wait3A_793, %add3A, %dma_wait3A_798, %dma_wait3A_799] : memref<200x8x32x8x128xf32, #tpu.memory_space<hbm>> -> memref<1x1x1x8x128xf32, #tpu.memory_space<hbm>>
        %dma_wait3A_801 = tpu.memref_squeeze %dma_wait3A_800 : memref<1x1x1x8x128xf32, #tpu.memory_space<hbm>> -> memref<8x128xf32, #tpu.memory_space<hbm>>
        %dma_wait3A_802 = tpu.memref_slice %arg11[%rem3A_412] : memref<2x!tpu.dma_semaphore, #tpu.memory_space<semaphore_mem>> -> memref<1x!tpu.dma_semaphore, #tpu.memory_space<semaphore_mem>>
        %dma_wait3A_803 = tpu.memref_squeeze %dma_wait3A_802 : memref<1x!tpu.dma_semaphore, #tpu.memory_space<semaphore_mem>> -> memref<!tpu.dma_semaphore, #tpu.memory_space<semaphore_mem>>
        %dma_wait3A_804 = arith.constant 0 : i32
        %dma_wait3A_805 = arith.constant 0 : i32
        %dma_wait3A_806 = tpu.memref_slice %arg5[%scan3A_409, %dma_wait3A_793, %add3A, %dma_wait3A_804, %dma_wait3A_805] : memref<200x8x32x8x128xf32, #tpu.memory_space<hbm>> -> memref<1x1x1x8x128xf32, #tpu.memory_space<hbm>>
        %dma_wait3A_807 = tpu.memref_squeeze %dma_wait3A_806 : memref<1x1x1x8x128xf32, #tpu.memory_space<hbm>> -> memref<8x128xf32, #tpu.memory_space<hbm>>
        %dma_wait3A_808 = arith.constant 32 : i32
        %dma_wait3A_809 = arith.constant 0 : i32
        %dma_wait3A_810 = tpu.memref_slice %arg9[%rem3A_412, %dma_wait3A_808, %dma_wait3A_809] : memref<2x64x129xf32, #tpu.memory_space<vmem>> -> memref<1x8x128xf32, #tpu.memory_space<vmem>>
        %dma_wait3A_811 = tpu.memref_squeeze %dma_wait3A_810 : memref<1x8x128xf32, #tpu.memory_space<vmem>> -> memref<8x128xf32, #tpu.memory_space<vmem>>
        tpu.wait_dma2 semaphore(%dma_wait3A_803 : memref<!tpu.dma_semaphore, #tpu.memory_space<semaphore_mem>>) src(%dma_wait3A_811 : memref<8x128xf32, #tpu.memory_space<vmem>>) dst(%dma_wait3A_807 : memref<8x128xf32, #tpu.memory_space<hbm>>)
        %dma_wait3A_812 = arith.constant 5 : i32
        %dma_wait3A_813 = arith.constant 40 : i32
        %dma_wait3A_814 = arith.constant 0 : i32
        %dma_wait3A_815 = tpu.memref_slice %arg9[%rem3A_412, %dma_wait3A_813, %dma_wait3A_814] : memref<2x64x129xf32, #tpu.memory_space<vmem>> -> memref<1x8x128xf32, #tpu.memory_space<vmem>>
        %dma_wait3A_816 = tpu.memref_squeeze %dma_wait3A_815 : memref<1x8x128xf32, #tpu.memory_space<vmem>> -> memref<8x128xf32, #tpu.memory_space<vmem>>
        %dma_wait3A_817 = arith.constant 0 : i32
        %dma_wait3A_818 = arith.constant 0 : i32
        %dma_wait3A_819 = tpu.memref_slice %arg5[%scan3A_409, %dma_wait3A_812, %add3A, %dma_wait3A_817, %dma_wait3A_818] : memref<200x8x32x8x128xf32, #tpu.memory_space<hbm>> -> memref<1x1x1x8x128xf32, #tpu.memory_space<hbm>>
        %dma_wait3A_820 = tpu.memref_squeeze %dma_wait3A_819 : memref<1x1x1x8x128xf32, #tpu.memory_space<hbm>> -> memref<8x128xf32, #tpu.memory_space<hbm>>
        %dma_wait3A_821 = tpu.memref_slice %arg11[%rem3A_412] : memref<2x!tpu.dma_semaphore, #tpu.memory_space<semaphore_mem>> -> memref<1x!tpu.dma_semaphore, #tpu.memory_space<semaphore_mem>>
        %dma_wait3A_822 = tpu.memref_squeeze %dma_wait3A_821 : memref<1x!tpu.dma_semaphore, #tpu.memory_space<semaphore_mem>> -> memref<!tpu.dma_semaphore, #tpu.memory_space<semaphore_mem>>
        %dma_wait3A_823 = arith.constant 0 : i32
        %dma_wait3A_824 = arith.constant 0 : i32
        %dma_wait3A_825 = tpu.memref_slice %arg5[%scan3A_409, %dma_wait3A_812, %add3A, %dma_wait3A_823, %dma_wait3A_824] : memref<200x8x32x8x128xf32, #tpu.memory_space<hbm>> -> memref<1x1x1x8x128xf32, #tpu.memory_space<hbm>>
        %dma_wait3A_826 = tpu.memref_squeeze %dma_wait3A_825 : memref<1x1x1x8x128xf32, #tpu.memory_space<hbm>> -> memref<8x128xf32, #tpu.memory_space<hbm>>
        %dma_wait3A_827 = arith.constant 40 : i32
        %dma_wait3A_828 = arith.constant 0 : i32
        %dma_wait3A_829 = tpu.memref_slice %arg9[%rem3A_412, %dma_wait3A_827, %dma_wait3A_828] : memref<2x64x129xf32, #tpu.memory_space<vmem>> -> memref<1x8x128xf32, #tpu.memory_space<vmem>>
        %dma_wait3A_830 = tpu.memref_squeeze %dma_wait3A_829 : memref<1x8x128xf32, #tpu.memory_space<vmem>> -> memref<8x128xf32, #tpu.memory_space<vmem>>
        tpu.wait_dma2 semaphore(%dma_wait3A_822 : memref<!tpu.dma_semaphore, #tpu.memory_space<semaphore_mem>>) src(%dma_wait3A_830 : memref<8x128xf32, #tpu.memory_space<vmem>>) dst(%dma_wait3A_826 : memref<8x128xf32, #tpu.memory_space<hbm>>)
        %dma_wait3A_831 = arith.constant 6 : i32
        %dma_wait3A_832 = arith.constant 48 : i32
        %dma_wait3A_833 = arith.constant 0 : i32
        %dma_wait3A_834 = tpu.memref_slice %arg9[%rem3A_412, %dma_wait3A_832, %dma_wait3A_833] : memref<2x64x129xf32, #tpu.memory_space<vmem>> -> memref<1x8x128xf32, #tpu.memory_space<vmem>>
        %dma_wait3A_835 = tpu.memref_squeeze %dma_wait3A_834 : memref<1x8x128xf32, #tpu.memory_space<vmem>> -> memref<8x128xf32, #tpu.memory_space<vmem>>
        %dma_wait3A_836 = arith.constant 0 : i32
        %dma_wait3A_837 = arith.constant 0 : i32
        %dma_wait3A_838 = tpu.memref_slice %arg5[%scan3A_409, %dma_wait3A_831, %add3A, %dma_wait3A_836, %dma_wait3A_837] : memref<200x8x32x8x128xf32, #tpu.memory_space<hbm>> -> memref<1x1x1x8x128xf32, #tpu.memory_space<hbm>>
        %dma_wait3A_839 = tpu.memref_squeeze %dma_wait3A_838 : memref<1x1x1x8x128xf32, #tpu.memory_space<hbm>> -> memref<8x128xf32, #tpu.memory_space<hbm>>
        %dma_wait3A_840 = tpu.memref_slice %arg11[%rem3A_412] : memref<2x!tpu.dma_semaphore, #tpu.memory_space<semaphore_mem>> -> memref<1x!tpu.dma_semaphore, #tpu.memory_space<semaphore_mem>>
        %dma_wait3A_841 = tpu.memref_squeeze %dma_wait3A_840 : memref<1x!tpu.dma_semaphore, #tpu.memory_space<semaphore_mem>> -> memref<!tpu.dma_semaphore, #tpu.memory_space<semaphore_mem>>
        %dma_wait3A_842 = arith.constant 0 : i32
        %dma_wait3A_843 = arith.constant 0 : i32
        %dma_wait3A_844 = tpu.memref_slice %arg5[%scan3A_409, %dma_wait3A_831, %add3A, %dma_wait3A_842, %dma_wait3A_843] : memref<200x8x32x8x128xf32, #tpu.memory_space<hbm>> -> memref<1x1x1x8x128xf32, #tpu.memory_space<hbm>>
        %dma_wait3A_845 = tpu.memref_squeeze %dma_wait3A_844 : memref<1x1x1x8x128xf32, #tpu.memory_space<hbm>> -> memref<8x128xf32, #tpu.memory_space<hbm>>
        %dma_wait3A_846 = arith.constant 48 : i32
        %dma_wait3A_847 = arith.constant 0 : i32
        %dma_wait3A_848 = tpu.memref_slice %arg9[%rem3A_412, %dma_wait3A_846, %dma_wait3A_847] : memref<2x64x129xf32, #tpu.memory_space<vmem>> -> memref<1x8x128xf32, #tpu.memory_space<vmem>>
        %dma_wait3A_849 = tpu.memref_squeeze %dma_wait3A_848 : memref<1x8x128xf32, #tpu.memory_space<vmem>> -> memref<8x128xf32, #tpu.memory_space<vmem>>
        tpu.wait_dma2 semaphore(%dma_wait3A_841 : memref<!tpu.dma_semaphore, #tpu.memory_space<semaphore_mem>>) src(%dma_wait3A_849 : memref<8x128xf32, #tpu.memory_space<vmem>>) dst(%dma_wait3A_845 : memref<8x128xf32, #tpu.memory_space<hbm>>)
        %dma_wait3A_850 = arith.constant 7 : i32
        %dma_wait3A_851 = arith.constant 56 : i32
        %dma_wait3A_852 = arith.constant 0 : i32
        %dma_wait3A_853 = tpu.memref_slice %arg9[%rem3A_412, %dma_wait3A_851, %dma_wait3A_852] : memref<2x64x129xf32, #tpu.memory_space<vmem>> -> memref<1x8x128xf32, #tpu.memory_space<vmem>>
        %dma_wait3A_854 = tpu.memref_squeeze %dma_wait3A_853 : memref<1x8x128xf32, #tpu.memory_space<vmem>> -> memref<8x128xf32, #tpu.memory_space<vmem>>
        %dma_wait3A_855 = arith.constant 0 : i32
        %dma_wait3A_856 = arith.constant 0 : i32
        %dma_wait3A_857 = tpu.memref_slice %arg5[%scan3A_409, %dma_wait3A_850, %add3A, %dma_wait3A_855, %dma_wait3A_856] : memref<200x8x32x8x128xf32, #tpu.memory_space<hbm>> -> memref<1x1x1x8x128xf32, #tpu.memory_space<hbm>>
        %dma_wait3A_858 = tpu.memref_squeeze %dma_wait3A_857 : memref<1x1x1x8x128xf32, #tpu.memory_space<hbm>> -> memref<8x128xf32, #tpu.memory_space<hbm>>
        %dma_wait3A_859 = tpu.memref_slice %arg11[%rem3A_412] : memref<2x!tpu.dma_semaphore, #tpu.memory_space<semaphore_mem>> -> memref<1x!tpu.dma_semaphore, #tpu.memory_space<semaphore_mem>>
        %dma_wait3A_860 = tpu.memref_squeeze %dma_wait3A_859 : memref<1x!tpu.dma_semaphore, #tpu.memory_space<semaphore_mem>> -> memref<!tpu.dma_semaphore, #tpu.memory_space<semaphore_mem>>
        %dma_wait3A_861 = arith.constant 0 : i32
        %dma_wait3A_862 = arith.constant 0 : i32
        %dma_wait3A_863 = tpu.memref_slice %arg5[%scan3A_409, %dma_wait3A_850, %add3A, %dma_wait3A_861, %dma_wait3A_862] : memref<200x8x32x8x128xf32, #tpu.memory_space<hbm>> -> memref<1x1x1x8x128xf32, #tpu.memory_space<hbm>>
        %dma_wait3A_864 = tpu.memref_squeeze %dma_wait3A_863 : memref<1x1x1x8x128xf32, #tpu.memory_space<hbm>> -> memref<8x128xf32, #tpu.memory_space<hbm>>
        %dma_wait3A_865 = arith.constant 56 : i32
        %dma_wait3A_866 = arith.constant 0 : i32
        %dma_wait3A_867 = tpu.memref_slice %arg9[%rem3A_412, %dma_wait3A_865, %dma_wait3A_866] : memref<2x64x129xf32, #tpu.memory_space<vmem>> -> memref<1x8x128xf32, #tpu.memory_space<vmem>>
        %dma_wait3A_868 = tpu.memref_squeeze %dma_wait3A_867 : memref<1x8x128xf32, #tpu.memory_space<vmem>> -> memref<8x128xf32, #tpu.memory_space<vmem>>
        tpu.wait_dma2 semaphore(%dma_wait3A_860 : memref<!tpu.dma_semaphore, #tpu.memory_space<semaphore_mem>>) src(%dma_wait3A_868 : memref<8x128xf32, #tpu.memory_space<vmem>>) dst(%dma_wait3A_864 : memref<8x128xf32, #tpu.memory_space<hbm>>)
      } else {
      }
      %mul3A_427 = arith.constant 64 : i32
      %mul3A_428 = arith.muli %scan3A_409, %mul3A_427 : i32
      %add3A_429 = arith.constant 0 : i32
      %add3A_430 = arith.addi %add3A_429, %mul3A_428 : i32
      %add3A_431 = arith.constant 0 : i32
      %add3A_432 = arith.addi %add3A_430, %add3A_431 : i32
      %get3A = arith.index_cast %add3A_432 : i32 to index
      %get3A_433 = tpu.vector_load %arg7[%get3A] {strides = array<i32>} : memref<51200xf32, #tpu.memory_space<vmem>>, vector<16xf32>,
      %mul3A_434 = arith.constant 64 : i32
      %mul3A_435 = arith.muli %scan3A_409, %mul3A_434 : i32
      %add3A_436 = arith.constant 0 : i32
      %add3A_437 = arith.addi %add3A_436, %mul3A_435 : i32
      %add3A_438 = arith.constant 16 : i32
      %add3A_439 = arith.addi %add3A_437, %add3A_438 : i32
      %get3A_440 = arith.index_cast %add3A_439 : i32 to index
      %get3A_441 = tpu.vector_load %arg7[%get3A_440] {strides = array<i32>} : memref<51200xf32, #tpu.memory_space<vmem>>, vector<16xf32>,
      %mul3A_442 = arith.constant 64 : i32
      %mul3A_443 = arith.muli %scan3A_409, %mul3A_442 : i32
      %add3A_444 = arith.constant 0 : i32
      %add3A_445 = arith.addi %add3A_444, %mul3A_443 : i32
      %add3A_446 = arith.constant 32 : i32
      %add3A_447 = arith.addi %add3A_445, %add3A_446 : i32
      %get3A_448 = arith.index_cast %add3A_447 : i32 to index
      %get3A_449 = tpu.vector_load %arg7[%get3A_448] {strides = array<i32>} : memref<51200xf32, #tpu.memory_space<vmem>>, vector<16xf32>,
      %mul3A_450 = arith.constant 64 : i32
      %mul3A_451 = arith.muli %scan3A_409, %mul3A_450 : i32
      %add3A_452 = arith.constant 0 : i32
      %add3A_453 = arith.addi %add3A_452, %mul3A_451 : i32
      %add3A_454 = arith.constant 48 : i32
      %add3A_455 = arith.addi %add3A_453, %add3A_454 : i32
      %get3A_456 = arith.index_cast %add3A_455 : i32 to index
      %get3A_457 = tpu.vector_load %arg7[%get3A_456] {strides = array<i32>} : memref<51200xf32, #tpu.memory_space<vmem>>, vector<16xf32>,
      %mul3A_458 = arith.constant 64 : i32
      %mul3A_459 = arith.muli %scan3A_409, %mul3A_458 : i32
      %add3A_460 = arith.constant 12800 : i32
      %add3A_461 = arith.addi %add3A_460, %mul3A_459 : i32
      %add3A_462 = arith.constant 0 : i32
      %add3A_463 = arith.addi %add3A_461, %add3A_462 : i32
      %get3A_464 = arith.index_cast %add3A_463 : i32 to index
      %get3A_465 = tpu.vector_load %arg7[%get3A_464] {strides = array<i32>} : memref<51200xf32, #tpu.memory_space<vmem>>, vector<16xf32>,
      %mul3A_466 = arith.constant 64 : i32
      %mul3A_467 = arith.muli %scan3A_409, %mul3A_466 : i32
      %add3A_468 = arith.constant 12800 : i32
      %add3A_469 = arith.addi %add3A_468, %mul3A_467 : i32
      %add3A_470 = arith.constant 16 : i32
      %add3A_471 = arith.addi %add3A_469, %add3A_470 : i32
      %get3A_472 = arith.index_cast %add3A_471 : i32 to index
      %get3A_473 = tpu.vector_load %arg7[%get3A_472] {strides = array<i32>} : memref<51200xf32, #tpu.memory_space<vmem>>, vector<16xf32>,
      %mul3A_474 = arith.constant 64 : i32
      %mul3A_475 = arith.muli %scan3A_409, %mul3A_474 : i32
      %add3A_476 = arith.constant 12800 : i32
      %add3A_477 = arith.addi %add3A_476, %mul3A_475 : i32
      %add3A_478 = arith.constant 32 : i32
      %add3A_479 = arith.addi %add3A_477, %add3A_478 : i32
      %get3A_480 = arith.index_cast %add3A_479 : i32 to index
      %get3A_481 = tpu.vector_load %arg7[%get3A_480] {strides = array<i32>} : memref<51200xf32, #tpu.memory_space<vmem>>, vector<16xf32>,
      %mul3A_482 = arith.constant 64 : i32
      %mul3A_483 = arith.muli %scan3A_409, %mul3A_482 : i32
      %add3A_484 = arith.constant 12800 : i32
      %add3A_485 = arith.addi %add3A_484, %mul3A_483 : i32
      %add3A_486 = arith.constant 48 : i32
      %add3A_487 = arith.addi %add3A_485, %add3A_486 : i32
      %get3A_488 = arith.index_cast %add3A_487 : i32 to index
      %get3A_489 = tpu.vector_load %arg7[%get3A_488] {strides = array<i32>} : memref<51200xf32, #tpu.memory_space<vmem>>, vector<16xf32>,
      %mul3A_490 = arith.constant 64 : i32
      %mul3A_491 = arith.muli %scan3A_409, %mul3A_490 : i32
      %add3A_492 = arith.constant 25600 : i32
      %add3A_493 = arith.addi %add3A_492, %mul3A_491 : i32
      %add3A_494 = arith.constant 0 : i32
      %add3A_495 = arith.addi %add3A_493, %add3A_494 : i32
      %get3A_496 = arith.index_cast %add3A_495 : i32 to index
      %get3A_497 = tpu.vector_load %arg7[%get3A_496] {strides = array<i32>} : memref<51200xf32, #tpu.memory_space<vmem>>, vector<16xf32>,
      %mul3A_498 = arith.constant 64 : i32
      %mul3A_499 = arith.muli %scan3A_409, %mul3A_498 : i32
      %add3A_500 = arith.constant 25600 : i32
      %add3A_501 = arith.addi %add3A_500, %mul3A_499 : i32
      %add3A_502 = arith.constant 16 : i32
      %add3A_503 = arith.addi %add3A_501, %add3A_502 : i32
      %get3A_504 = arith.index_cast %add3A_503 : i32 to index
      %get3A_505 = tpu.vector_load %arg7[%get3A_504] {strides = array<i32>} : memref<51200xf32, #tpu.memory_space<vmem>>, vector<16xf32>,
      %mul3A_506 = arith.constant 64 : i32
      %mul3A_507 = arith.muli %scan3A_409, %mul3A_506 : i32
      %add3A_508 = arith.constant 25600 : i32
      %add3A_509 = arith.addi %add3A_508, %mul3A_507 : i32
      %add3A_510 = arith.constant 32 : i32
      %add3A_511 = arith.addi %add3A_509, %add3A_510 : i32
      %get3A_512 = arith.index_cast %add3A_511 : i32 to index
      %get3A_513 = tpu.vector_load %arg7[%get3A_512] {strides = array<i32>} : memref<51200xf32, #tpu.memory_space<vmem>>, vector<16xf32>,
      %mul3A_514 = arith.constant 64 : i32
      %mul3A_515 = arith.muli %scan3A_409, %mul3A_514 : i32
      %add3A_516 = arith.constant 25600 : i32
      %add3A_517 = arith.addi %add3A_516, %mul3A_515 : i32
      %add3A_518 = arith.constant 48 : i32
      %add3A_519 = arith.addi %add3A_517, %add3A_518 : i32
      %get3A_520 = arith.index_cast %add3A_519 : i32 to index
      %get3A_521 = tpu.vector_load %arg7[%get3A_520] {strides = array<i32>} : memref<51200xf32, #tpu.memory_space<vmem>>, vector<16xf32>,
      %mul3A_522 = arith.constant 64 : i32
      %mul3A_523 = arith.muli %scan3A_409, %mul3A_522 : i32
      %add3A_524 = arith.constant 38400 : i32
      %add3A_525 = arith.addi %add3A_524, %mul3A_523 : i32
      %add3A_526 = arith.constant 0 : i32
      %add3A_527 = arith.addi %add3A_525, %add3A_526 : i32
      %get3A_528 = arith.index_cast %add3A_527 : i32 to index
      %get3A_529 = tpu.vector_load %arg7[%get3A_528] {strides = array<i32>} : memref<51200xf32, #tpu.memory_space<vmem>>, vector<16xf32>,
      %mul3A_530 = arith.constant 64 : i32
      %mul3A_531 = arith.muli %scan3A_409, %mul3A_530 : i32
      %add3A_532 = arith.constant 38400 : i32
      %add3A_533 = arith.addi %add3A_532, %mul3A_531 : i32
      %add3A_534 = arith.constant 16 : i32
      %add3A_535 = arith.addi %add3A_533, %add3A_534 : i32
      %get3A_536 = arith.index_cast %add3A_535 : i32 to index
      %get3A_537 = tpu.vector_load %arg7[%get3A_536] {strides = array<i32>} : memref<51200xf32, #tpu.memory_space<vmem>>, vector<16xf32>,
      %mul3A_538 = arith.constant 64 : i32
      %mul3A_539 = arith.muli %scan3A_409, %mul3A_538 : i32
      %add3A_540 = arith.constant 38400 : i32
      %add3A_541 = arith.addi %add3A_540, %mul3A_539 : i32
      %add3A_542 = arith.constant 32 : i32
      %add3A_543 = arith.addi %add3A_541, %add3A_542 : i32
      %get3A_544 = arith.index_cast %add3A_543 : i32 to index
      %get3A_545 = tpu.vector_load %arg7[%get3A_544] {strides = array<i32>} : memref<51200xf32, #tpu.memory_space<vmem>>, vector<16xf32>,
      %mul3A_546 = arith.constant 64 : i32
      %mul3A_547 = arith.muli %scan3A_409, %mul3A_546 : i32
      %add3A_548 = arith.constant 38400 : i32
      %add3A_549 = arith.addi %add3A_548, %mul3A_547 : i32
      %add3A_550 = arith.constant 48 : i32
      %add3A_551 = arith.addi %add3A_549, %add3A_550 : i32
      %get3A_552 = arith.index_cast %add3A_551 : i32 to index
      %get3A_553 = tpu.vector_load %arg7[%get3A_552] {strides = array<i32>} : memref<51200xf32, #tpu.memory_space<vmem>>, vector<16xf32>,
      %broadcast_in_dim3A = vector.broadcast %rem3A_412 : i32 to vector<16xi32>
      %mul3A_554 = arith.constant 128 : i32
      %mul3A_555 = arith.muli %rem3A_410, %mul3A_554 : i32
      %parallel_loop3A = arith.constant 0 : i32
      %parallel_loop3A_556 = arith.constant 32 : i32
      %parallel_loop3A_557 = arith.constant 1 : i32
      scf.for %parallel_loop3A_717 = %parallel_loop3A to %parallel_loop3A_556 step %parallel_loop3A_557  : i32 {
        %parallel_loop3A_718 = arith.constant 4 : i32
        %parallel_loop3A_719 = arith.muli %parallel_loop3A_717, %parallel_loop3A_718 : i32
        %parallel_loop3A_720 = arith.addi %mul3A_555, %parallel_loop3A_719 : i32
        %parallel_loop3A_721 = arith.constant 0 : i32
        %parallel_loop3A_722 = arith.addi %parallel_loop3A_720, %parallel_loop3A_721 : i32
        %parallel_loop3A_723 = arith.constant 0 : i32
        %parallel_loop3A_724 = arith.addi %parallel_loop3A_719, %parallel_loop3A_723 : i32
        %parallel_loop3A_725 = vector.broadcast %parallel_loop3A_724 : i32 to vector<16xi32>
        %parallel_loop3A_726 = arith.index_cast %parallel_loop3A_722 : i32 to index
        %parallel_loop3A_727 = arith.constant 0 : index
        %parallel_loop3A_728 = tpu.vector_load %arg8[%parallel_loop3A_726, %parallel_loop3A_727] {strides = array<i32>} : memref<512x64xf32, #tpu.memory_space<vmem>>, vector<16xf32>,
        %parallel_loop3A_729 = arith.addf %parallel_loop3A_728, %get3A_433 : vector<16xf32>
        tpu.vector_store_idx %arg9[%broadcast_in_dim3A, %add3A_5, %parallel_loop3A_725], %parallel_loop3A_729 : memref<2x64x129xf32, #tpu.memory_space<vmem>>[vector<16xi32>, vector<16xi32>, vector<16xi32>], vector<16xf32>,
        %parallel_loop3A_730 = arith.index_cast %parallel_loop3A_722 : i32 to index
        %parallel_loop3A_731 = arith.constant 16 : index
        %parallel_loop3A_732 = tpu.vector_load %arg8[%parallel_loop3A_730, %parallel_loop3A_731] {strides = array<i32>} : memref<512x64xf32, #tpu.memory_space<vmem>>, vector<16xf32>,
        %parallel_loop3A_733 = arith.addf %parallel_loop3A_732, %get3A_441 : vector<16xf32>
        tpu.vector_store_idx %arg9[%broadcast_in_dim3A, %add3A_8, %parallel_loop3A_725], %parallel_loop3A_733 : memref<2x64x129xf32, #tpu.memory_space<vmem>>[vector<16xi32>, vector<16xi32>, vector<16xi32>], vector<16xf32>,
        %parallel_loop3A_734 = arith.index_cast %parallel_loop3A_722 : i32 to index
        %parallel_loop3A_735 = arith.constant 32 : index
        %parallel_loop3A_736 = tpu.vector_load %arg8[%parallel_loop3A_734, %parallel_loop3A_735] {strides = array<i32>} : memref<512x64xf32, #tpu.memory_space<vmem>>, vector<16xf32>,
        %parallel_loop3A_737 = arith.addf %parallel_loop3A_736, %get3A_449 : vector<16xf32>
        tpu.vector_store_idx %arg9[%broadcast_in_dim3A, %add3A_11, %parallel_loop3A_725], %parallel_loop3A_737 : memref<2x64x129xf32, #tpu.memory_space<vmem>>[vector<16xi32>, vector<16xi32>, vector<16xi32>], vector<16xf32>,
        %parallel_loop3A_738 = arith.index_cast %parallel_loop3A_722 : i32 to index
        %parallel_loop3A_739 = arith.constant 48 : index
        %parallel_loop3A_740 = tpu.vector_load %arg8[%parallel_loop3A_738, %parallel_loop3A_739] {strides = array<i32>} : memref<512x64xf32, #tpu.memory_space<vmem>>, vector<16xf32>,
        %parallel_loop3A_741 = arith.addf %parallel_loop3A_740, %get3A_457 : vector<16xf32>
        tpu.vector_store_idx %arg9[%broadcast_in_dim3A, %add3A_14, %parallel_loop3A_725], %parallel_loop3A_741 : memref<2x64x129xf32, #tpu.memory_space<vmem>>[vector<16xi32>, vector<16xi32>, vector<16xi32>], vector<16xf32>,
        %parallel_loop3A_742 = arith.addi %mul3A_555, %parallel_loop3A_719 : i32
        %parallel_loop3A_743 = arith.constant 1 : i32
        %parallel_loop3A_744 = arith.addi %parallel_loop3A_742, %parallel_loop3A_743 : i32
        %parallel_loop3A_745 = arith.constant 1 : i32
        %parallel_loop3A_746 = arith.addi %parallel_loop3A_719, %parallel_loop3A_745 : i32
        %parallel_loop3A_747 = vector.broadcast %parallel_loop3A_746 : i32 to vector<16xi32>
        %parallel_loop3A_748 = arith.index_cast %parallel_loop3A_744 : i32 to index
        %parallel_loop3A_749 = arith.constant 0 : index
        %parallel_loop3A_750 = tpu.vector_load %arg8[%parallel_loop3A_748, %parallel_loop3A_749] {strides = array<i32>} : memref<512x64xf32, #tpu.memory_space<vmem>>, vector<16xf32>,
        %parallel_loop3A_751 = arith.addf %parallel_loop3A_750, %get3A_465 : vector<16xf32>
        tpu.vector_store_idx %arg9[%broadcast_in_dim3A, %add3A_5, %parallel_loop3A_747], %parallel_loop3A_751 : memref<2x64x129xf32, #tpu.memory_space<vmem>>[vector<16xi32>, vector<16xi32>, vector<16xi32>], vector<16xf32>,
        %parallel_loop3A_752 = arith.index_cast %parallel_loop3A_744 : i32 to index
        %parallel_loop3A_753 = arith.constant 16 : index
        %parallel_loop3A_754 = tpu.vector_load %arg8[%parallel_loop3A_752, %parallel_loop3A_753] {strides = array<i32>} : memref<512x64xf32, #tpu.memory_space<vmem>>, vector<16xf32>,
        %parallel_loop3A_755 = arith.addf %parallel_loop3A_754, %get3A_473 : vector<16xf32>
        tpu.vector_store_idx %arg9[%broadcast_in_dim3A, %add3A_8, %parallel_loop3A_747], %parallel_loop3A_755 : memref<2x64x129xf32, #tpu.memory_space<vmem>>[vector<16xi32>, vector<16xi32>, vector<16xi32>], vector<16xf32>,
        %parallel_loop3A_756 = arith.index_cast %parallel_loop3A_744 : i32 to index
        %parallel_loop3A_757 = arith.constant 32 : index
        %parallel_loop3A_758 = tpu.vector_load %arg8[%parallel_loop3A_756, %parallel_loop3A_757] {strides = array<i32>} : memref<512x64xf32, #tpu.memory_space<vmem>>, vector<16xf32>,
        %parallel_loop3A_759 = arith.addf %parallel_loop3A_758, %get3A_481 : vector<16xf32>
        tpu.vector_store_idx %arg9[%broadcast_in_dim3A, %add3A_11, %parallel_loop3A_747], %parallel_loop3A_759 : memref<2x64x129xf32, #tpu.memory_space<vmem>>[vector<16xi32>, vector<16xi32>, vector<16xi32>], vector<16xf32>,
        %parallel_loop3A_760 = arith.index_cast %parallel_loop3A_744 : i32 to index
        %parallel_loop3A_761 = arith.constant 48 : index
        %parallel_loop3A_762 = tpu.vector_load %arg8[%parallel_loop3A_760, %parallel_loop3A_761] {strides = array<i32>} : memref<512x64xf32, #tpu.memory_space<vmem>>, vector<16xf32>,
        %parallel_loop3A_763 = arith.addf %parallel_loop3A_762, %get3A_489 : vector<16xf32>
        tpu.vector_store_idx %arg9[%broadcast_in_dim3A, %add3A_14, %parallel_loop3A_747], %parallel_loop3A_763 : memref<2x64x129xf32, #tpu.memory_space<vmem>>[vector<16xi32>, vector<16xi32>, vector<16xi32>], vector<16xf32>,
        %parallel_loop3A_764 = arith.addi %mul3A_555, %parallel_loop3A_719 : i32
        %parallel_loop3A_765 = arith.constant 2 : i32
        %parallel_loop3A_766 = arith.addi %parallel_loop3A_764, %parallel_loop3A_765 : i32
        %parallel_loop3A_767 = arith.constant 2 : i32
        %parallel_loop3A_768 = arith.addi %parallel_loop3A_719, %parallel_loop3A_767 : i32
        %parallel_loop3A_769 = vector.broadcast %parallel_loop3A_768 : i32 to vector<16xi32>
        %parallel_loop3A_770 = arith.index_cast %parallel_loop3A_766 : i32 to index
        %parallel_loop3A_771 = arith.constant 0 : index
        %parallel_loop3A_772 = tpu.vector_load %arg8[%parallel_loop3A_770, %parallel_loop3A_771] {strides = array<i32>} : memref<512x64xf32, #tpu.memory_space<vmem>>, vector<16xf32>,
        %parallel_loop3A_773 = arith.addf %parallel_loop3A_772, %get3A_497 : vector<16xf32>
        tpu.vector_store_idx %arg9[%broadcast_in_dim3A, %add3A_5, %parallel_loop3A_769], %parallel_loop3A_773 : memref<2x64x129xf32, #tpu.memory_space<vmem>>[vector<16xi32>, vector<16xi32>, vector<16xi32>], vector<16xf32>,
        %parallel_loop3A_774 = arith.index_cast %parallel_loop3A_766 : i32 to index
        %parallel_loop3A_775 = arith.constant 16 : index
        %parallel_loop3A_776 = tpu.vector_load %arg8[%parallel_loop3A_774, %parallel_loop3A_775] {strides = array<i32>} : memref<512x64xf32, #tpu.memory_space<vmem>>, vector<16xf32>,
        %parallel_loop3A_777 = arith.addf %parallel_loop3A_776, %get3A_505 : vector<16xf32>
        tpu.vector_store_idx %arg9[%broadcast_in_dim3A, %add3A_8, %parallel_loop3A_769], %parallel_loop3A_777 : memref<2x64x129xf32, #tpu.memory_space<vmem>>[vector<16xi32>, vector<16xi32>, vector<16xi32>], vector<16xf32>,
        %parallel_loop3A_778 = arith.index_cast %parallel_loop3A_766 : i32 to index
        %parallel_loop3A_779 = arith.constant 32 : index
        %parallel_loop3A_780 = tpu.vector_load %arg8[%parallel_loop3A_778, %parallel_loop3A_779] {strides = array<i32>} : memref<512x64xf32, #tpu.memory_space<vmem>>, vector<16xf32>,
        %parallel_loop3A_781 = arith.addf %parallel_loop3A_780, %get3A_513 : vector<16xf32>
        tpu.vector_store_idx %arg9[%broadcast_in_dim3A, %add3A_11, %parallel_loop3A_769], %parallel_loop3A_781 : memref<2x64x129xf32, #tpu.memory_space<vmem>>[vector<16xi32>, vector<16xi32>, vector<16xi32>], vector<16xf32>,
        %parallel_loop3A_782 = arith.index_cast %parallel_loop3A_766 : i32 to index
        %parallel_loop3A_783 = arith.constant 48 : index
        %parallel_loop3A_784 = tpu.vector_load %arg8[%parallel_loop3A_782, %parallel_loop3A_783] {strides = array<i32>} : memref<512x64xf32, #tpu.memory_space<vmem>>, vector<16xf32>,
        %parallel_loop3A_785 = arith.addf %parallel_loop3A_784, %get3A_521 : vector<16xf32>
        tpu.vector_store_idx %arg9[%broadcast_in_dim3A, %add3A_14, %parallel_loop3A_769], %parallel_loop3A_785 : memref<2x64x129xf32, #tpu.memory_space<vmem>>[vector<16xi32>, vector<16xi32>, vector<16xi32>], vector<16xf32>,
        %parallel_loop3A_786 = arith.addi %mul3A_555, %parallel_loop3A_719 : i32
        %parallel_loop3A_787 = arith.constant 3 : i32
        %parallel_loop3A_788 = arith.addi %parallel_loop3A_786, %parallel_loop3A_787 : i32
        %parallel_loop3A_789 = arith.constant 3 : i32
        %parallel_loop3A_790 = arith.addi %parallel_loop3A_719, %parallel_loop3A_789 : i32
        %parallel_loop3A_791 = vector.broadcast %parallel_loop3A_790 : i32 to vector<16xi32>
        %parallel_loop3A_792 = arith.index_cast %parallel_loop3A_788 : i32 to index
        %parallel_loop3A_793 = arith.constant 0 : index
        %parallel_loop3A_794 = tpu.vector_load %arg8[%parallel_loop3A_792, %parallel_loop3A_793] {strides = array<i32>} : memref<512x64xf32, #tpu.memory_space<vmem>>, vector<16xf32>,
        %parallel_loop3A_795 = arith.addf %parallel_loop3A_794, %get3A_529 : vector<16xf32>
        tpu.vector_store_idx %arg9[%broadcast_in_dim3A, %add3A_5, %parallel_loop3A_791], %parallel_loop3A_795 : memref<2x64x129xf32, #tpu.memory_space<vmem>>[vector<16xi32>, vector<16xi32>, vector<16xi32>], vector<16xf32>,
        %parallel_loop3A_796 = arith.index_cast %parallel_loop3A_788 : i32 to index
        %parallel_loop3A_797 = arith.constant 16 : index
        %parallel_loop3A_798 = tpu.vector_load %arg8[%parallel_loop3A_796, %parallel_loop3A_797] {strides = array<i32>} : memref<512x64xf32, #tpu.memory_space<vmem>>, vector<16xf32>,
        %parallel_loop3A_799 = arith.addf %parallel_loop3A_798, %get3A_537 : vector<16xf32>
        tpu.vector_store_idx %arg9[%broadcast_in_dim3A, %add3A_8, %parallel_loop3A_791], %parallel_loop3A_799 : memref<2x64x129xf32, #tpu.memory_space<vmem>>[vector<16xi32>, vector<16xi32>, vector<16xi32>], vector<16xf32>,
        %parallel_loop3A_800 = arith.index_cast %parallel_loop3A_788 : i32 to index
        %parallel_loop3A_801 = arith.constant 32 : index
        %parallel_loop3A_802 = tpu.vector_load %arg8[%parallel_loop3A_800, %parallel_loop3A_801] {strides = array<i32>} : memref<512x64xf32, #tpu.memory_space<vmem>>, vector<16xf32>,
        %parallel_loop3A_803 = arith.addf %parallel_loop3A_802, %get3A_545 : vector<16xf32>
        tpu.vector_store_idx %arg9[%broadcast_in_dim3A, %add3A_11, %parallel_loop3A_791], %parallel_loop3A_803 : memref<2x64x129xf32, #tpu.memory_space<vmem>>[vector<16xi32>, vector<16xi32>, vector<16xi32>], vector<16xf32>,
        %parallel_loop3A_804 = arith.index_cast %parallel_loop3A_788 : i32 to index
        %parallel_loop3A_805 = arith.constant 48 : index
        %parallel_loop3A_806 = tpu.vector_load %arg8[%parallel_loop3A_804, %parallel_loop3A_805] {strides = array<i32>} : memref<512x64xf32, #tpu.memory_space<vmem>>, vector<16xf32>,
        %parallel_loop3A_807 = arith.addf %parallel_loop3A_806, %get3A_553 : vector<16xf32>
        tpu.vector_store_idx %arg9[%broadcast_in_dim3A, %add3A_14, %parallel_loop3A_791], %parallel_loop3A_807 : memref<2x64x129xf32, #tpu.memory_space<vmem>>[vector<16xi32>, vector<16xi32>, vector<16xi32>], vector<16xf32>,
      } {sc.loop_unroll_factor = 1 : i64, sc.parallel_access}
      %dma_start3A_558 = arith.constant 0 : i32
      %dma_start3A_559 = arith.constant 0 : i32
      %dma_start3A_560 = arith.constant 0 : i32
      %dma_start3A_561 = tpu.memref_slice %arg9[%rem3A_412, %dma_start3A_559, %dma_start3A_560] : memref<2x64x129xf32, #tpu.memory_space<vmem>> -> memref<1x8x128xf32, #tpu.memory_space<vmem>>
      %dma_start3A_562 = tpu.memref_squeeze %dma_start3A_561 : memref<1x8x128xf32, #tpu.memory_space<vmem>> -> memref<8x128xf32, #tpu.memory_space<vmem>>
      %dma_start3A_563 = arith.constant 0 : i32
      %dma_start3A_564 = arith.constant 0 : i32
      %dma_start3A_565 = tpu.memref_slice %arg5[%scan3A_409, %dma_start3A_558, %add3A, %dma_start3A_563, %dma_start3A_564] : memref<200x8x32x8x128xf32, #tpu.memory_space<hbm>> -> memref<1x1x1x8x128xf32, #tpu.memory_space<hbm>>
      %dma_start3A_566 = tpu.memref_squeeze %dma_start3A_565 : memref<1x1x1x8x128xf32, #tpu.memory_space<hbm>> -> memref<8x128xf32, #tpu.memory_space<hbm>>
      %dma_start3A_567 = tpu.memref_slice %arg11[%rem3A_412] : memref<2x!tpu.dma_semaphore, #tpu.memory_space<semaphore_mem>> -> memref<1x!tpu.dma_semaphore, #tpu.memory_space<semaphore_mem>>
      %dma_start3A_568 = tpu.memref_squeeze %dma_start3A_567 : memref<1x!tpu.dma_semaphore, #tpu.memory_space<semaphore_mem>> -> memref<!tpu.dma_semaphore, #tpu.memory_space<semaphore_mem>>
      %dma_start3A_569 = arith.constant 0 : i32
      %dma_start3A_570 = arith.constant 0 : i32
      %dma_start3A_571 = tpu.memref_slice %arg5[%scan3A_409, %dma_start3A_558, %add3A, %dma_start3A_569, %dma_start3A_570] : memref<200x8x32x8x128xf32, #tpu.memory_space<hbm>> -> memref<1x1x1x8x128xf32, #tpu.memory_space<hbm>>
      %dma_start3A_572 = tpu.memref_squeeze %dma_start3A_571 : memref<1x1x1x8x128xf32, #tpu.memory_space<hbm>> -> memref<8x128xf32, #tpu.memory_space<hbm>>
      %dma_start3A_573 = arith.constant 0 : i32
      %dma_start3A_574 = arith.constant 0 : i32
      %dma_start3A_575 = tpu.memref_slice %arg9[%rem3A_412, %dma_start3A_573, %dma_start3A_574] : memref<2x64x129xf32, #tpu.memory_space<vmem>> -> memref<1x8x128xf32, #tpu.memory_space<vmem>>
      %dma_start3A_576 = tpu.memref_squeeze %dma_start3A_575 : memref<1x8x128xf32, #tpu.memory_space<vmem>> -> memref<8x128xf32, #tpu.memory_space<vmem>>
      tpu.enqueue_dma source(%dma_start3A_576 : memref<8x128xf32, #tpu.memory_space<vmem>>) target(%dma_start3A_572 : memref<8x128xf32, #tpu.memory_space<hbm>>) target_semaphore(%dma_start3A_568 : memref<!tpu.dma_semaphore, #tpu.memory_space<semaphore_mem>>)
      %dma_start3A_577 = arith.constant 1 : i32
      %dma_start3A_578 = arith.constant 8 : i32
      %dma_start3A_579 = arith.constant 0 : i32
      %dma_start3A_580 = tpu.memref_slice %arg9[%rem3A_412, %dma_start3A_578, %dma_start3A_579] : memref<2x64x129xf32, #tpu.memory_space<vmem>> -> memref<1x8x128xf32, #tpu.memory_space<vmem>>
      %dma_start3A_581 = tpu.memref_squeeze %dma_start3A_580 : memref<1x8x128xf32, #tpu.memory_space<vmem>> -> memref<8x128xf32, #tpu.memory_space<vmem>>
      %dma_start3A_582 = arith.constant 0 : i32
      %dma_start3A_583 = arith.constant 0 : i32
      %dma_start3A_584 = tpu.memref_slice %arg5[%scan3A_409, %dma_start3A_577, %add3A, %dma_start3A_582, %dma_start3A_583] : memref<200x8x32x8x128xf32, #tpu.memory_space<hbm>> -> memref<1x1x1x8x128xf32, #tpu.memory_space<hbm>>
      %dma_start3A_585 = tpu.memref_squeeze %dma_start3A_584 : memref<1x1x1x8x128xf32, #tpu.memory_space<hbm>> -> memref<8x128xf32, #tpu.memory_space<hbm>>
      %dma_start3A_586 = tpu.memref_slice %arg11[%rem3A_412] : memref<2x!tpu.dma_semaphore, #tpu.memory_space<semaphore_mem>> -> memref<1x!tpu.dma_semaphore, #tpu.memory_space<semaphore_mem>>
      %dma_start3A_587 = tpu.memref_squeeze %dma_start3A_586 : memref<1x!tpu.dma_semaphore, #tpu.memory_space<semaphore_mem>> -> memref<!tpu.dma_semaphore, #tpu.memory_space<semaphore_mem>>
      %dma_start3A_588 = arith.constant 0 : i32
      %dma_start3A_589 = arith.constant 0 : i32
      %dma_start3A_590 = tpu.memref_slice %arg5[%scan3A_409, %dma_start3A_577, %add3A, %dma_start3A_588, %dma_start3A_589] : memref<200x8x32x8x128xf32, #tpu.memory_space<hbm>> -> memref<1x1x1x8x128xf32, #tpu.memory_space<hbm>>
      %dma_start3A_591 = tpu.memref_squeeze %dma_start3A_590 : memref<1x1x1x8x128xf32, #tpu.memory_space<hbm>> -> memref<8x128xf32, #tpu.memory_space<hbm>>
      %dma_start3A_592 = arith.constant 8 : i32
      %dma_start3A_593 = arith.constant 0 : i32
      %dma_start3A_594 = tpu.memref_slice %arg9[%rem3A_412, %dma_start3A_592, %dma_start3A_593] : memref<2x64x129xf32, #tpu.memory_space<vmem>> -> memref<1x8x128xf32, #tpu.memory_space<vmem>>
      %dma_start3A_595 = tpu.memref_squeeze %dma_start3A_594 : memref<1x8x128xf32, #tpu.memory_space<vmem>> -> memref<8x128xf32, #tpu.memory_space<vmem>>
      tpu.enqueue_dma source(%dma_start3A_595 : memref<8x128xf32, #tpu.memory_space<vmem>>) target(%dma_start3A_591 : memref<8x128xf32, #tpu.memory_space<hbm>>) target_semaphore(%dma_start3A_587 : memref<!tpu.dma_semaphore, #tpu.memory_space<semaphore_mem>>)
      %dma_start3A_596 = arith.constant 2 : i32
      %dma_start3A_597 = arith.constant 16 : i32
      %dma_start3A_598 = arith.constant 0 : i32
      %dma_start3A_599 = tpu.memref_slice %arg9[%rem3A_412, %dma_start3A_597, %dma_start3A_598] : memref<2x64x129xf32, #tpu.memory_space<vmem>> -> memref<1x8x128xf32, #tpu.memory_space<vmem>>
      %dma_start3A_600 = tpu.memref_squeeze %dma_start3A_599 : memref<1x8x128xf32, #tpu.memory_space<vmem>> -> memref<8x128xf32, #tpu.memory_space<vmem>>
      %dma_start3A_601 = arith.constant 0 : i32
      %dma_start3A_602 = arith.constant 0 : i32
      %dma_start3A_603 = tpu.memref_slice %arg5[%scan3A_409, %dma_start3A_596, %add3A, %dma_start3A_601, %dma_start3A_602] : memref<200x8x32x8x128xf32, #tpu.memory_space<hbm>> -> memref<1x1x1x8x128xf32, #tpu.memory_space<hbm>>
      %dma_start3A_604 = tpu.memref_squeeze %dma_start3A_603 : memref<1x1x1x8x128xf32, #tpu.memory_space<hbm>> -> memref<8x128xf32, #tpu.memory_space<hbm>>
      %dma_start3A_605 = tpu.memref_slice %arg11[%rem3A_412] : memref<2x!tpu.dma_semaphore, #tpu.memory_space<semaphore_mem>> -> memref<1x!tpu.dma_semaphore, #tpu.memory_space<semaphore_mem>>
      %dma_start3A_606 = tpu.memref_squeeze %dma_start3A_605 : memref<1x!tpu.dma_semaphore, #tpu.memory_space<semaphore_mem>> -> memref<!tpu.dma_semaphore, #tpu.memory_space<semaphore_mem>>
      %dma_start3A_607 = arith.constant 0 : i32
      %dma_start3A_608 = arith.constant 0 : i32
      %dma_start3A_609 = tpu.memref_slice %arg5[%scan3A_409, %dma_start3A_596, %add3A, %dma_start3A_607, %dma_start3A_608] : memref<200x8x32x8x128xf32, #tpu.memory_space<hbm>> -> memref<1x1x1x8x128xf32, #tpu.memory_space<hbm>>
      %dma_start3A_610 = tpu.memref_squeeze %dma_start3A_609 : memref<1x1x1x8x128xf32, #tpu.memory_space<hbm>> -> memref<8x128xf32, #tpu.memory_space<hbm>>
      %dma_start3A_611 = arith.constant 16 : i32
      %dma_start3A_612 = arith.constant 0 : i32
      %dma_start3A_613 = tpu.memref_slice %arg9[%rem3A_412, %dma_start3A_611, %dma_start3A_612] : memref<2x64x129xf32, #tpu.memory_space<vmem>> -> memref<1x8x128xf32, #tpu.memory_space<vmem>>
      %dma_start3A_614 = tpu.memref_squeeze %dma_start3A_613 : memref<1x8x128xf32, #tpu.memory_space<vmem>> -> memref<8x128xf32, #tpu.memory_space<vmem>>
      tpu.enqueue_dma source(%dma_start3A_614 : memref<8x128xf32, #tpu.memory_space<vmem>>) target(%dma_start3A_610 : memref<8x128xf32, #tpu.memory_space<hbm>>) target_semaphore(%dma_start3A_606 : memref<!tpu.dma_semaphore, #tpu.memory_space<semaphore_mem>>)
      %dma_start3A_615 = arith.constant 3 : i32
      %dma_start3A_616 = arith.constant 24 : i32
      %dma_start3A_617 = arith.constant 0 : i32
      %dma_start3A_618 = tpu.memref_slice %arg9[%rem3A_412, %dma_start3A_616, %dma_start3A_617] : memref<2x64x129xf32, #tpu.memory_space<vmem>> -> memref<1x8x128xf32, #tpu.memory_space<vmem>>
      %dma_start3A_619 = tpu.memref_squeeze %dma_start3A_618 : memref<1x8x128xf32, #tpu.memory_space<vmem>> -> memref<8x128xf32, #tpu.memory_space<vmem>>
      %dma_start3A_620 = arith.constant 0 : i32
      %dma_start3A_621 = arith.constant 0 : i32
      %dma_start3A_622 = tpu.memref_slice %arg5[%scan3A_409, %dma_start3A_615, %add3A, %dma_start3A_620, %dma_start3A_621] : memref<200x8x32x8x128xf32, #tpu.memory_space<hbm>> -> memref<1x1x1x8x128xf32, #tpu.memory_space<hbm>>
      %dma_start3A_623 = tpu.memref_squeeze %dma_start3A_622 : memref<1x1x1x8x128xf32, #tpu.memory_space<hbm>> -> memref<8x128xf32, #tpu.memory_space<hbm>>
      %dma_start3A_624 = tpu.memref_slice %arg11[%rem3A_412] : memref<2x!tpu.dma_semaphore, #tpu.memory_space<semaphore_mem>> -> memref<1x!tpu.dma_semaphore, #tpu.memory_space<semaphore_mem>>
      %dma_start3A_625 = tpu.memref_squeeze %dma_start3A_624 : memref<1x!tpu.dma_semaphore, #tpu.memory_space<semaphore_mem>> -> memref<!tpu.dma_semaphore, #tpu.memory_space<semaphore_mem>>
      %dma_start3A_626 = arith.constant 0 : i32
      %dma_start3A_627 = arith.constant 0 : i32
      %dma_start3A_628 = tpu.memref_slice %arg5[%scan3A_409, %dma_start3A_615, %add3A, %dma_start3A_626, %dma_start3A_627] : memref<200x8x32x8x128xf32, #tpu.memory_space<hbm>> -> memref<1x1x1x8x128xf32, #tpu.memory_space<hbm>>
      %dma_start3A_629 = tpu.memref_squeeze %dma_start3A_628 : memref<1x1x1x8x128xf32, #tpu.memory_space<hbm>> -> memref<8x128xf32, #tpu.memory_space<hbm>>
      %dma_start3A_630 = arith.constant 24 : i32
      %dma_start3A_631 = arith.constant 0 : i32
      %dma_start3A_632 = tpu.memref_slice %arg9[%rem3A_412, %dma_start3A_630, %dma_start3A_631] : memref<2x64x129xf32, #tpu.memory_space<vmem>> -> memref<1x8x128xf32, #tpu.memory_space<vmem>>
      %dma_start3A_633 = tpu.memref_squeeze %dma_start3A_632 : memref<1x8x128xf32, #tpu.memory_space<vmem>> -> memref<8x128xf32, #tpu.memory_space<vmem>>
      tpu.enqueue_dma source(%dma_start3A_633 : memref<8x128xf32, #tpu.memory_space<vmem>>) target(%dma_start3A_629 : memref<8x128xf32, #tpu.memory_space<hbm>>) target_semaphore(%dma_start3A_625 : memref<!tpu.dma_semaphore, #tpu.memory_space<semaphore_mem>>)
      %dma_start3A_634 = arith.constant 4 : i32
      %dma_start3A_635 = arith.constant 32 : i32
      %dma_start3A_636 = arith.constant 0 : i32
      %dma_start3A_637 = tpu.memref_slice %arg9[%rem3A_412, %dma_start3A_635, %dma_start3A_636] : memref<2x64x129xf32, #tpu.memory_space<vmem>> -> memref<1x8x128xf32, #tpu.memory_space<vmem>>
      %dma_start3A_638 = tpu.memref_squeeze %dma_start3A_637 : memref<1x8x128xf32, #tpu.memory_space<vmem>> -> memref<8x128xf32, #tpu.memory_space<vmem>>
      %dma_start3A_639 = arith.constant 0 : i32
      %dma_start3A_640 = arith.constant 0 : i32
      %dma_start3A_641 = tpu.memref_slice %arg5[%scan3A_409, %dma_start3A_634, %add3A, %dma_start3A_639, %dma_start3A_640] : memref<200x8x32x8x128xf32, #tpu.memory_space<hbm>> -> memref<1x1x1x8x128xf32, #tpu.memory_space<hbm>>
      %dma_start3A_642 = tpu.memref_squeeze %dma_start3A_641 : memref<1x1x1x8x128xf32, #tpu.memory_space<hbm>> -> memref<8x128xf32, #tpu.memory_space<hbm>>
      %dma_start3A_643 = tpu.memref_slice %arg11[%rem3A_412] : memref<2x!tpu.dma_semaphore, #tpu.memory_space<semaphore_mem>> -> memref<1x!tpu.dma_semaphore, #tpu.memory_space<semaphore_mem>>
      %dma_start3A_644 = tpu.memref_squeeze %dma_start3A_643 : memref<1x!tpu.dma_semaphore, #tpu.memory_space<semaphore_mem>> -> memref<!tpu.dma_semaphore, #tpu.memory_space<semaphore_mem>>
      %dma_start3A_645 = arith.constant 0 : i32
      %dma_start3A_646 = arith.constant 0 : i32
      %dma_start3A_647 = tpu.memref_slice %arg5[%scan3A_409, %dma_start3A_634, %add3A, %dma_start3A_645, %dma_start3A_646] : memref<200x8x32x8x128xf32, #tpu.memory_space<hbm>> -> memref<1x1x1x8x128xf32, #tpu.memory_space<hbm>>
      %dma_start3A_648 = tpu.memref_squeeze %dma_start3A_647 : memref<1x1x1x8x128xf32, #tpu.memory_space<hbm>> -> memref<8x128xf32, #tpu.memory_space<hbm>>
      %dma_start3A_649 = arith.constant 32 : i32
      %dma_start3A_650 = arith.constant 0 : i32
      %dma_start3A_651 = tpu.memref_slice %arg9[%rem3A_412, %dma_start3A_649, %dma_start3A_650] : memref<2x64x129xf32, #tpu.memory_space<vmem>> -> memref<1x8x128xf32, #tpu.memory_space<vmem>>
      %dma_start3A_652 = tpu.memref_squeeze %dma_start3A_651 : memref<1x8x128xf32, #tpu.memory_space<vmem>> -> memref<8x128xf32, #tpu.memory_space<vmem>>
      tpu.enqueue_dma source(%dma_start3A_652 : memref<8x128xf32, #tpu.memory_space<vmem>>) target(%dma_start3A_648 : memref<8x128xf32, #tpu.memory_space<hbm>>) target_semaphore(%dma_start3A_644 : memref<!tpu.dma_semaphore, #tpu.memory_space<semaphore_mem>>)
      %dma_start3A_653 = arith.constant 5 : i32
      %dma_start3A_654 = arith.constant 40 : i32
      %dma_start3A_655 = arith.constant 0 : i32
      %dma_start3A_656 = tpu.memref_slice %arg9[%rem3A_412, %dma_start3A_654, %dma_start3A_655] : memref<2x64x129xf32, #tpu.memory_space<vmem>> -> memref<1x8x128xf32, #tpu.memory_space<vmem>>
      %dma_start3A_657 = tpu.memref_squeeze %dma_start3A_656 : memref<1x8x128xf32, #tpu.memory_space<vmem>> -> memref<8x128xf32, #tpu.memory_space<vmem>>
      %dma_start3A_658 = arith.constant 0 : i32
      %dma_start3A_659 = arith.constant 0 : i32
      %dma_start3A_660 = tpu.memref_slice %arg5[%scan3A_409, %dma_start3A_653, %add3A, %dma_start3A_658, %dma_start3A_659] : memref<200x8x32x8x128xf32, #tpu.memory_space<hbm>> -> memref<1x1x1x8x128xf32, #tpu.memory_space<hbm>>
      %dma_start3A_661 = tpu.memref_squeeze %dma_start3A_660 : memref<1x1x1x8x128xf32, #tpu.memory_space<hbm>> -> memref<8x128xf32, #tpu.memory_space<hbm>>
      %dma_start3A_662 = tpu.memref_slice %arg11[%rem3A_412] : memref<2x!tpu.dma_semaphore, #tpu.memory_space<semaphore_mem>> -> memref<1x!tpu.dma_semaphore, #tpu.memory_space<semaphore_mem>>
      %dma_start3A_663 = tpu.memref_squeeze %dma_start3A_662 : memref<1x!tpu.dma_semaphore, #tpu.memory_space<semaphore_mem>> -> memref<!tpu.dma_semaphore, #tpu.memory_space<semaphore_mem>>
      %dma_start3A_664 = arith.constant 0 : i32
      %dma_start3A_665 = arith.constant 0 : i32
      %dma_start3A_666 = tpu.memref_slice %arg5[%scan3A_409, %dma_start3A_653, %add3A, %dma_start3A_664, %dma_start3A_665] : memref<200x8x32x8x128xf32, #tpu.memory_space<hbm>> -> memref<1x1x1x8x128xf32, #tpu.memory_space<hbm>>
      %dma_start3A_667 = tpu.memref_squeeze %dma_start3A_666 : memref<1x1x1x8x128xf32, #tpu.memory_space<hbm>> -> memref<8x128xf32, #tpu.memory_space<hbm>>
      %dma_start3A_668 = arith.constant 40 : i32
      %dma_start3A_669 = arith.constant 0 : i32
      %dma_start3A_670 = tpu.memref_slice %arg9[%rem3A_412, %dma_start3A_668, %dma_start3A_669] : memref<2x64x129xf32, #tpu.memory_space<vmem>> -> memref<1x8x128xf32, #tpu.memory_space<vmem>>
      %dma_start3A_671 = tpu.memref_squeeze %dma_start3A_670 : memref<1x8x128xf32, #tpu.memory_space<vmem>> -> memref<8x128xf32, #tpu.memory_space<vmem>>
      tpu.enqueue_dma source(%dma_start3A_671 : memref<8x128xf32, #tpu.memory_space<vmem>>) target(%dma_start3A_667 : memref<8x128xf32, #tpu.memory_space<hbm>>) target_semaphore(%dma_start3A_663 : memref<!tpu.dma_semaphore, #tpu.memory_space<semaphore_mem>>)
      %dma_start3A_672 = arith.constant 6 : i32
      %dma_start3A_673 = arith.constant 48 : i32
      %dma_start3A_674 = arith.constant 0 : i32
      %dma_start3A_675 = tpu.memref_slice %arg9[%rem3A_412, %dma_start3A_673, %dma_start3A_674] : memref<2x64x129xf32, #tpu.memory_space<vmem>> -> memref<1x8x128xf32, #tpu.memory_space<vmem>>
      %dma_start3A_676 = tpu.memref_squeeze %dma_start3A_675 : memref<1x8x128xf32, #tpu.memory_space<vmem>> -> memref<8x128xf32, #tpu.memory_space<vmem>>
      %dma_start3A_677 = arith.constant 0 : i32
      %dma_start3A_678 = arith.constant 0 : i32
      %dma_start3A_679 = tpu.memref_slice %arg5[%scan3A_409, %dma_start3A_672, %add3A, %dma_start3A_677, %dma_start3A_678] : memref<200x8x32x8x128xf32, #tpu.memory_space<hbm>> -> memref<1x1x1x8x128xf32, #tpu.memory_space<hbm>>
      %dma_start3A_680 = tpu.memref_squeeze %dma_start3A_679 : memref<1x1x1x8x128xf32, #tpu.memory_space<hbm>> -> memref<8x128xf32, #tpu.memory_space<hbm>>
      %dma_start3A_681 = tpu.memref_slice %arg11[%rem3A_412] : memref<2x!tpu.dma_semaphore, #tpu.memory_space<semaphore_mem>> -> memref<1x!tpu.dma_semaphore, #tpu.memory_space<semaphore_mem>>
      %dma_start3A_682 = tpu.memref_squeeze %dma_start3A_681 : memref<1x!tpu.dma_semaphore, #tpu.memory_space<semaphore_mem>> -> memref<!tpu.dma_semaphore, #tpu.memory_space<semaphore_mem>>
      %dma_start3A_683 = arith.constant 0 : i32
      %dma_start3A_684 = arith.constant 0 : i32
      %dma_start3A_685 = tpu.memref_slice %arg5[%scan3A_409, %dma_start3A_672, %add3A, %dma_start3A_683, %dma_start3A_684] : memref<200x8x32x8x128xf32, #tpu.memory_space<hbm>> -> memref<1x1x1x8x128xf32, #tpu.memory_space<hbm>>
      %dma_start3A_686 = tpu.memref_squeeze %dma_start3A_685 : memref<1x1x1x8x128xf32, #tpu.memory_space<hbm>> -> memref<8x128xf32, #tpu.memory_space<hbm>>
      %dma_start3A_687 = arith.constant 48 : i32
      %dma_start3A_688 = arith.constant 0 : i32
      %dma_start3A_689 = tpu.memref_slice %arg9[%rem3A_412, %dma_start3A_687, %dma_start3A_688] : memref<2x64x129xf32, #tpu.memory_space<vmem>> -> memref<1x8x128xf32, #tpu.memory_space<vmem>>
      %dma_start3A_690 = tpu.memref_squeeze %dma_start3A_689 : memref<1x8x128xf32, #tpu.memory_space<vmem>> -> memref<8x128xf32, #tpu.memory_space<vmem>>
      tpu.enqueue_dma source(%dma_start3A_690 : memref<8x128xf32, #tpu.memory_space<vmem>>) target(%dma_start3A_686 : memref<8x128xf32, #tpu.memory_space<hbm>>) target_semaphore(%dma_start3A_682 : memref<!tpu.dma_semaphore, #tpu.memory_space<semaphore_mem>>)
      %dma_start3A_691 = arith.constant 7 : i32
      %dma_start3A_692 = arith.constant 56 : i32
      %dma_start3A_693 = arith.constant 0 : i32
      %dma_start3A_694 = tpu.memref_slice %arg9[%rem3A_412, %dma_start3A_692, %dma_start3A_693] : memref<2x64x129xf32, #tpu.memory_space<vmem>> -> memref<1x8x128xf32, #tpu.memory_space<vmem>>
      %dma_start3A_695 = tpu.memref_squeeze %dma_start3A_694 : memref<1x8x128xf32, #tpu.memory_space<vmem>> -> memref<8x128xf32, #tpu.memory_space<vmem>>
      %dma_start3A_696 = arith.constant 0 : i32
      %dma_start3A_697 = arith.constant 0 : i32
      %dma_start3A_698 = tpu.memref_slice %arg5[%scan3A_409, %dma_start3A_691, %add3A, %dma_start3A_696, %dma_start3A_697] : memref<200x8x32x8x128xf32, #tpu.memory_space<hbm>> -> memref<1x1x1x8x128xf32, #tpu.memory_space<hbm>>
      %dma_start3A_699 = tpu.memref_squeeze %dma_start3A_698 : memref<1x1x1x8x128xf32, #tpu.memory_space<hbm>> -> memref<8x128xf32, #tpu.memory_space<hbm>>
      %dma_start3A_700 = tpu.memref_slice %arg11[%rem3A_412] : memref<2x!tpu.dma_semaphore, #tpu.memory_space<semaphore_mem>> -> memref<1x!tpu.dma_semaphore, #tpu.memory_space<semaphore_mem>>
      %dma_start3A_701 = tpu.memref_squeeze %dma_start3A_700 : memref<1x!tpu.dma_semaphore, #tpu.memory_space<semaphore_mem>> -> memref<!tpu.dma_semaphore, #tpu.memory_space<semaphore_mem>>
      %dma_start3A_702 = arith.constant 0 : i32
      %dma_start3A_703 = arith.constant 0 : i32
      %dma_start3A_704 = tpu.memref_slice %arg5[%scan3A_409, %dma_start3A_691, %add3A, %dma_start3A_702, %dma_start3A_703] : memref<200x8x32x8x128xf32, #tpu.memory_space<hbm>> -> memref<1x1x1x8x128xf32, #tpu.memory_space<hbm>>
      %dma_start3A_705 = tpu.memref_squeeze %dma_start3A_704 : memref<1x1x1x8x128xf32, #tpu.memory_space<hbm>> -> memref<8x128xf32, #tpu.memory_space<hbm>>
      %dma_start3A_706 = arith.constant 56 : i32
      %dma_start3A_707 = arith.constant 0 : i32
      %dma_start3A_708 = tpu.memref_slice %arg9[%rem3A_412, %dma_start3A_706, %dma_start3A_707] : memref<2x64x129xf32, #tpu.memory_space<vmem>> -> memref<1x8x128xf32, #tpu.memory_space<vmem>>
      %dma_start3A_709 = tpu.memref_squeeze %dma_start3A_708 : memref<1x8x128xf32, #tpu.memory_space<vmem>> -> memref<8x128xf32, #tpu.memory_space<vmem>>
      tpu.enqueue_dma source(%dma_start3A_709 : memref<8x128xf32, #tpu.memory_space<vmem>>) target(%dma_start3A_705 : memref<8x128xf32, #tpu.memory_space<hbm>>) target_semaphore(%dma_start3A_701 : memref<!tpu.dma_semaphore, #tpu.memory_space<semaphore_mem>>)
      %add3A_710 = arith.constant 4 : i32
      %add3A_711 = arith.addi %scan3A_409, %add3A_710 : i32
      %sub3A = arith.constant 1 : i32
      %sub3A_712 = arith.subi %add3A_711, %sub3A : i32
      %lt3A = arith.constant 200 : i32
      %lt3A_713 = arith.cmpi slt, %sub3A_712, %lt3A : i32
      %convert_element_type3A_714 = arith.extui %lt3A_713 : i1 to i32
      %cond3A_715 = arith.constant 0 : i32
      %cond3A_716 = arith.cmpi ne, %convert_element_type3A_714, %cond3A_715 : i32
      scf.if %cond3A_716 {
        %add3A_717 = arith.constant 4 : i32
        %add3A_718 = arith.addi %scan3A_409, %add3A_717 : i32
        %sub3A_719 = arith.constant 1 : i32
        %sub3A_720 = arith.subi %add3A_718, %sub3A_719 : i32
        %add3A_721 = arith.constant 4 : i32
        %add3A_722 = arith.addi %scan3A_409, %add3A_721 : i32
        %sub3A_723 = arith.constant 1 : i32
        %sub3A_724 = arith.subi %add3A_722, %sub3A_723 : i32
        %rem3A_725 = arith.constant 4 : i32
        %rem3A_726 = arith.remsi %sub3A_724, %rem3A_725 : i32
        %mul3A_727 = arith.constant 128 : i32
        %mul3A_728 = arith.muli %rem3A_726, %mul3A_727 : i32
        %dma_start3A_729 = arith.constant 0 : i32
        %dma_start3A_730 = tpu.memref_slice %arg8[%mul3A_728, %dma_start3A_729] : memref<512x64xf32, #tpu.memory_space<vmem>> -> memref<128x64xf32, #tpu.memory_space<vmem>>
        %dma_start3A_731 = arith.constant 0 : i32
        %dma_start3A_732 = tpu.memref_slice %arg6[%sub3A_720, %dma_start3A_731] : memref<200x128xi32, #tpu.memory_space<vmem>> -> memref<1x128xi32, #tpu.memory_space<vmem>>
        %dma_start3A_733 = tpu.memref_squeeze %dma_start3A_732 : memref<1x128xi32, #tpu.memory_space<vmem>> -> memref<128xi32, #tpu.memory_space<vmem>>
        %dma_start3A_734 = arith.constant 0 : i32
        %dma_start3A_735 = arith.constant 0 : i32
        %dma_start3A_736 = tpu.memref_slice %arg3[%dma_start3A_734, %dma_start3A_735] : memref<400000x64xf32, #tpu.memory_space<hbm>> -> memref<400000x64xf32, #tpu.memory_space<hbm>>
        %dma_start3A_737 = tpu.memref_slice %arg10[%rem3A_726] : memref<4x!tpu.dma_semaphore, #tpu.memory_space<semaphore_mem>> -> memref<1x!tpu.dma_semaphore, #tpu.memory_space<semaphore_mem>>
        %dma_start3A_738 = tpu.memref_squeeze %dma_start3A_737 : memref<1x!tpu.dma_semaphore, #tpu.memory_space<semaphore_mem>> -> memref<!tpu.dma_semaphore, #tpu.memory_space<semaphore_mem>>
        tpu.enqueue_indirect_dma source(%dma_start3A_736 : memref<400000x64xf32, #tpu.memory_space<hbm>>) target(%dma_start3A_730 : memref<128x64xf32, #tpu.memory_space<vmem>>) offsets(%dma_start3A_733 : memref<128xi32, #tpu.memory_space<vmem>>) semaphore(%dma_start3A_738 : memref<!tpu.dma_semaphore, #tpu.memory_space<semaphore_mem>>)
      } else {
      }
    }
    %scan3A_57 = arith.constant 200 : i32
    %dma_wait3A = arith.constant 0 : i32
    %dma_wait3A_58 = arith.constant 198 : i32
    %dma_wait3A_59 = arith.constant 0 : i32
    %dma_wait3A_60 = arith.constant 0 : i32
    %dma_wait3A_61 = arith.constant 0 : i32
    %dma_wait3A_62 = arith.constant 0 : i32
    %dma_wait3A_63 = tpu.memref_slice %arg9[%dma_wait3A, %dma_wait3A_61, %dma_wait3A_62] : memref<2x64x129xf32, #tpu.memory_space<vmem>> -> memref<1x8x128xf32, #tpu.memory_space<vmem>>
    %dma_wait3A_64 = tpu.memref_squeeze %dma_wait3A_63 : memref<1x8x128xf32, #tpu.memory_space<vmem>> -> memref<8x128xf32, #tpu.memory_space<vmem>>
    %dma_wait3A_65 = arith.constant 0 : i32
    %dma_wait3A_66 = arith.constant 0 : i32
    %dma_wait3A_67 = tpu.memref_slice %arg5[%dma_wait3A_58, %dma_wait3A_59, %add3A, %dma_wait3A_65, %dma_wait3A_66] : memref<200x8x32x8x128xf32, #tpu.memory_space<hbm>> -> memref<1x1x1x8x128xf32, #tpu.memory_space<hbm>>
    %dma_wait3A_68 = tpu.memref_squeeze %dma_wait3A_67 : memref<1x1x1x8x128xf32, #tpu.memory_space<hbm>> -> memref<8x128xf32, #tpu.memory_space<hbm>>
    %dma_wait3A_69 = tpu.memref_slice %arg11[%dma_wait3A_60] : memref<2x!tpu.dma_semaphore, #tpu.memory_space<semaphore_mem>> -> memref<1x!tpu.dma_semaphore, #tpu.memory_space<semaphore_mem>>
    %dma_wait3A_70 = tpu.memref_squeeze %dma_wait3A_69 : memref<1x!tpu.dma_semaphore, #tpu.memory_space<semaphore_mem>> -> memref<!tpu.dma_semaphore, #tpu.memory_space<semaphore_mem>>
    %dma_wait3A_71 = arith.constant 0 : i32
    %dma_wait3A_72 = arith.constant 0 : i32
    %dma_wait3A_73 = tpu.memref_slice %arg5[%dma_wait3A_58, %dma_wait3A_59, %add3A, %dma_wait3A_71, %dma_wait3A_72] : memref<200x8x32x8x128xf32, #tpu.memory_space<hbm>> -> memref<1x1x1x8x128xf32, #tpu.memory_space<hbm>>
    %dma_wait3A_74 = tpu.memref_squeeze %dma_wait3A_73 : memref<1x1x1x8x128xf32, #tpu.memory_space<hbm>> -> memref<8x128xf32, #tpu.memory_space<hbm>>
    %dma_wait3A_75 = arith.constant 0 : i32
    %dma_wait3A_76 = arith.constant 0 : i32
    %dma_wait3A_77 = tpu.memref_slice %arg9[%dma_wait3A, %dma_wait3A_75, %dma_wait3A_76] : memref<2x64x129xf32, #tpu.memory_space<vmem>> -> memref<1x8x128xf32, #tpu.memory_space<vmem>>
    %dma_wait3A_78 = tpu.memref_squeeze %dma_wait3A_77 : memref<1x8x128xf32, #tpu.memory_space<vmem>> -> memref<8x128xf32, #tpu.memory_space<vmem>>
    tpu.wait_dma2 semaphore(%dma_wait3A_70 : memref<!tpu.dma_semaphore, #tpu.memory_space<semaphore_mem>>) src(%dma_wait3A_78 : memref<8x128xf32, #tpu.memory_space<vmem>>) dst(%dma_wait3A_74 : memref<8x128xf32, #tpu.memory_space<hbm>>)
    %dma_wait3A_79 = arith.constant 0 : i32
    %dma_wait3A_80 = arith.constant 198 : i32
    %dma_wait3A_81 = arith.constant 1 : i32
    %dma_wait3A_82 = arith.constant 0 : i32
    %dma_wait3A_83 = arith.constant 8 : i32
    %dma_wait3A_84 = arith.constant 0 : i32
    %dma_wait3A_85 = tpu.memref_slice %arg9[%dma_wait3A_79, %dma_wait3A_83, %dma_wait3A_84] : memref<2x64x129xf32, #tpu.memory_space<vmem>> -> memref<1x8x128xf32, #tpu.memory_space<vmem>>
    %dma_wait3A_86 = tpu.memref_squeeze %dma_wait3A_85 : memref<1x8x128xf32, #tpu.memory_space<vmem>> -> memref<8x128xf32, #tpu.memory_space<vmem>>
    %dma_wait3A_87 = arith.constant 0 : i32
    %dma_wait3A_88 = arith.constant 0 : i32
    %dma_wait3A_89 = tpu.memref_slice %arg5[%dma_wait3A_80, %dma_wait3A_81, %add3A, %dma_wait3A_87, %dma_wait3A_88] : memref<200x8x32x8x128xf32, #tpu.memory_space<hbm>> -> memref<1x1x1x8x128xf32, #tpu.memory_space<hbm>>
    %dma_wait3A_90 = tpu.memref_squeeze %dma_wait3A_89 : memref<1x1x1x8x128xf32, #tpu.memory_space<hbm>> -> memref<8x128xf32, #tpu.memory_space<hbm>>
    %dma_wait3A_91 = tpu.memref_slice %arg11[%dma_wait3A_82] : memref<2x!tpu.dma_semaphore, #tpu.memory_space<semaphore_mem>> -> memref<1x!tpu.dma_semaphore, #tpu.memory_space<semaphore_mem>>
    %dma_wait3A_92 = tpu.memref_squeeze %dma_wait3A_91 : memref<1x!tpu.dma_semaphore, #tpu.memory_space<semaphore_mem>> -> memref<!tpu.dma_semaphore, #tpu.memory_space<semaphore_mem>>
    %dma_wait3A_93 = arith.constant 0 : i32
    %dma_wait3A_94 = arith.constant 0 : i32
    %dma_wait3A_95 = tpu.memref_slice %arg5[%dma_wait3A_80, %dma_wait3A_81, %add3A, %dma_wait3A_93, %dma_wait3A_94] : memref<200x8x32x8x128xf32, #tpu.memory_space<hbm>> -> memref<1x1x1x8x128xf32, #tpu.memory_space<hbm>>
    %dma_wait3A_96 = tpu.memref_squeeze %dma_wait3A_95 : memref<1x1x1x8x128xf32, #tpu.memory_space<hbm>> -> memref<8x128xf32, #tpu.memory_space<hbm>>
    %dma_wait3A_97 = arith.constant 8 : i32
    %dma_wait3A_98 = arith.constant 0 : i32
    %dma_wait3A_99 = tpu.memref_slice %arg9[%dma_wait3A_79, %dma_wait3A_97, %dma_wait3A_98] : memref<2x64x129xf32, #tpu.memory_space<vmem>> -> memref<1x8x128xf32, #tpu.memory_space<vmem>>
    %dma_wait3A_100 = tpu.memref_squeeze %dma_wait3A_99 : memref<1x8x128xf32, #tpu.memory_space<vmem>> -> memref<8x128xf32, #tpu.memory_space<vmem>>
    tpu.wait_dma2 semaphore(%dma_wait3A_92 : memref<!tpu.dma_semaphore, #tpu.memory_space<semaphore_mem>>) src(%dma_wait3A_100 : memref<8x128xf32, #tpu.memory_space<vmem>>) dst(%dma_wait3A_96 : memref<8x128xf32, #tpu.memory_space<hbm>>)
    %dma_wait3A_101 = arith.constant 0 : i32
    %dma_wait3A_102 = arith.constant 198 : i32
    %dma_wait3A_103 = arith.constant 2 : i32
    %dma_wait3A_104 = arith.constant 0 : i32
    %dma_wait3A_105 = arith.constant 16 : i32
    %dma_wait3A_106 = arith.constant 0 : i32
    %dma_wait3A_107 = tpu.memref_slice %arg9[%dma_wait3A_101, %dma_wait3A_105, %dma_wait3A_106] : memref<2x64x129xf32, #tpu.memory_space<vmem>> -> memref<1x8x128xf32, #tpu.memory_space<vmem>>
    %dma_wait3A_108 = tpu.memref_squeeze %dma_wait3A_107 : memref<1x8x128xf32, #tpu.memory_space<vmem>> -> memref<8x128xf32, #tpu.memory_space<vmem>>
    %dma_wait3A_109 = arith.constant 0 : i32
    %dma_wait3A_110 = arith.constant 0 : i32
    %dma_wait3A_111 = tpu.memref_slice %arg5[%dma_wait3A_102, %dma_wait3A_103, %add3A, %dma_wait3A_109, %dma_wait3A_110] : memref<200x8x32x8x128xf32, #tpu.memory_space<hbm>> -> memref<1x1x1x8x128xf32, #tpu.memory_space<hbm>>
    %dma_wait3A_112 = tpu.memref_squeeze %dma_wait3A_111 : memref<1x1x1x8x128xf32, #tpu.memory_space<hbm>> -> memref<8x128xf32, #tpu.memory_space<hbm>>
    %dma_wait3A_113 = tpu.memref_slice %arg11[%dma_wait3A_104] : memref<2x!tpu.dma_semaphore, #tpu.memory_space<semaphore_mem>> -> memref<1x!tpu.dma_semaphore, #tpu.memory_space<semaphore_mem>>
    %dma_wait3A_114 = tpu.memref_squeeze %dma_wait3A_113 : memref<1x!tpu.dma_semaphore, #tpu.memory_space<semaphore_mem>> -> memref<!tpu.dma_semaphore, #tpu.memory_space<semaphore_mem>>
    %dma_wait3A_115 = arith.constant 0 : i32
    %dma_wait3A_116 = arith.constant 0 : i32
    %dma_wait3A_117 = tpu.memref_slice %arg5[%dma_wait3A_102, %dma_wait3A_103, %add3A, %dma_wait3A_115, %dma_wait3A_116] : memref<200x8x32x8x128xf32, #tpu.memory_space<hbm>> -> memref<1x1x1x8x128xf32, #tpu.memory_space<hbm>>
    %dma_wait3A_118 = tpu.memref_squeeze %dma_wait3A_117 : memref<1x1x1x8x128xf32, #tpu.memory_space<hbm>> -> memref<8x128xf32, #tpu.memory_space<hbm>>
    %dma_wait3A_119 = arith.constant 16 : i32
    %dma_wait3A_120 = arith.constant 0 : i32
    %dma_wait3A_121 = tpu.memref_slice %arg9[%dma_wait3A_101, %dma_wait3A_119, %dma_wait3A_120] : memref<2x64x129xf32, #tpu.memory_space<vmem>> -> memref<1x8x128xf32, #tpu.memory_space<vmem>>
    %dma_wait3A_122 = tpu.memref_squeeze %dma_wait3A_121 : memref<1x8x128xf32, #tpu.memory_space<vmem>> -> memref<8x128xf32, #tpu.memory_space<vmem>>
    tpu.wait_dma2 semaphore(%dma_wait3A_114 : memref<!tpu.dma_semaphore, #tpu.memory_space<semaphore_mem>>) src(%dma_wait3A_122 : memref<8x128xf32, #tpu.memory_space<vmem>>) dst(%dma_wait3A_118 : memref<8x128xf32, #tpu.memory_space<hbm>>)
    %dma_wait3A_123 = arith.constant 0 : i32
    %dma_wait3A_124 = arith.constant 198 : i32
    %dma_wait3A_125 = arith.constant 3 : i32
    %dma_wait3A_126 = arith.constant 0 : i32
    %dma_wait3A_127 = arith.constant 24 : i32
    %dma_wait3A_128 = arith.constant 0 : i32
    %dma_wait3A_129 = tpu.memref_slice %arg9[%dma_wait3A_123, %dma_wait3A_127, %dma_wait3A_128] : memref<2x64x129xf32, #tpu.memory_space<vmem>> -> memref<1x8x128xf32, #tpu.memory_space<vmem>>
    %dma_wait3A_130 = tpu.memref_squeeze %dma_wait3A_129 : memref<1x8x128xf32, #tpu.memory_space<vmem>> -> memref<8x128xf32, #tpu.memory_space<vmem>>
    %dma_wait3A_131 = arith.constant 0 : i32
    %dma_wait3A_132 = arith.constant 0 : i32
    %dma_wait3A_133 = tpu.memref_slice %arg5[%dma_wait3A_124, %dma_wait3A_125, %add3A, %dma_wait3A_131, %dma_wait3A_132] : memref<200x8x32x8x128xf32, #tpu.memory_space<hbm>> -> memref<1x1x1x8x128xf32, #tpu.memory_space<hbm>>
    %dma_wait3A_134 = tpu.memref_squeeze %dma_wait3A_133 : memref<1x1x1x8x128xf32, #tpu.memory_space<hbm>> -> memref<8x128xf32, #tpu.memory_space<hbm>>
    %dma_wait3A_135 = tpu.memref_slice %arg11[%dma_wait3A_126] : memref<2x!tpu.dma_semaphore, #tpu.memory_space<semaphore_mem>> -> memref<1x!tpu.dma_semaphore, #tpu.memory_space<semaphore_mem>>
    %dma_wait3A_136 = tpu.memref_squeeze %dma_wait3A_135 : memref<1x!tpu.dma_semaphore, #tpu.memory_space<semaphore_mem>> -> memref<!tpu.dma_semaphore, #tpu.memory_space<semaphore_mem>>
    %dma_wait3A_137 = arith.constant 0 : i32
    %dma_wait3A_138 = arith.constant 0 : i32
    %dma_wait3A_139 = tpu.memref_slice %arg5[%dma_wait3A_124, %dma_wait3A_125, %add3A, %dma_wait3A_137, %dma_wait3A_138] : memref<200x8x32x8x128xf32, #tpu.memory_space<hbm>> -> memref<1x1x1x8x128xf32, #tpu.memory_space<hbm>>
    %dma_wait3A_140 = tpu.memref_squeeze %dma_wait3A_139 : memref<1x1x1x8x128xf32, #tpu.memory_space<hbm>> -> memref<8x128xf32, #tpu.memory_space<hbm>>
    %dma_wait3A_141 = arith.constant 24 : i32
    %dma_wait3A_142 = arith.constant 0 : i32
    %dma_wait3A_143 = tpu.memref_slice %arg9[%dma_wait3A_123, %dma_wait3A_141, %dma_wait3A_142] : memref<2x64x129xf32, #tpu.memory_space<vmem>> -> memref<1x8x128xf32, #tpu.memory_space<vmem>>
    %dma_wait3A_144 = tpu.memref_squeeze %dma_wait3A_143 : memref<1x8x128xf32, #tpu.memory_space<vmem>> -> memref<8x128xf32, #tpu.memory_space<vmem>>
    tpu.wait_dma2 semaphore(%dma_wait3A_136 : memref<!tpu.dma_semaphore, #tpu.memory_space<semaphore_mem>>) src(%dma_wait3A_144 : memref<8x128xf32, #tpu.memory_space<vmem>>) dst(%dma_wait3A_140 : memref<8x128xf32, #tpu.memory_space<hbm>>)
    %dma_wait3A_145 = arith.constant 0 : i32
    %dma_wait3A_146 = arith.constant 198 : i32
    %dma_wait3A_147 = arith.constant 4 : i32
    %dma_wait3A_148 = arith.constant 0 : i32
    %dma_wait3A_149 = arith.constant 32 : i32
    %dma_wait3A_150 = arith.constant 0 : i32
    %dma_wait3A_151 = tpu.memref_slice %arg9[%dma_wait3A_145, %dma_wait3A_149, %dma_wait3A_150] : memref<2x64x129xf32, #tpu.memory_space<vmem>> -> memref<1x8x128xf32, #tpu.memory_space<vmem>>
    %dma_wait3A_152 = tpu.memref_squeeze %dma_wait3A_151 : memref<1x8x128xf32, #tpu.memory_space<vmem>> -> memref<8x128xf32, #tpu.memory_space<vmem>>
    %dma_wait3A_153 = arith.constant 0 : i32
    %dma_wait3A_154 = arith.constant 0 : i32
    %dma_wait3A_155 = tpu.memref_slice %arg5[%dma_wait3A_146, %dma_wait3A_147, %add3A, %dma_wait3A_153, %dma_wait3A_154] : memref<200x8x32x8x128xf32, #tpu.memory_space<hbm>> -> memref<1x1x1x8x128xf32, #tpu.memory_space<hbm>>
    %dma_wait3A_156 = tpu.memref_squeeze %dma_wait3A_155 : memref<1x1x1x8x128xf32, #tpu.memory_space<hbm>> -> memref<8x128xf32, #tpu.memory_space<hbm>>
    %dma_wait3A_157 = tpu.memref_slice %arg11[%dma_wait3A_148] : memref<2x!tpu.dma_semaphore, #tpu.memory_space<semaphore_mem>> -> memref<1x!tpu.dma_semaphore, #tpu.memory_space<semaphore_mem>>
    %dma_wait3A_158 = tpu.memref_squeeze %dma_wait3A_157 : memref<1x!tpu.dma_semaphore, #tpu.memory_space<semaphore_mem>> -> memref<!tpu.dma_semaphore, #tpu.memory_space<semaphore_mem>>
    %dma_wait3A_159 = arith.constant 0 : i32
    %dma_wait3A_160 = arith.constant 0 : i32
    %dma_wait3A_161 = tpu.memref_slice %arg5[%dma_wait3A_146, %dma_wait3A_147, %add3A, %dma_wait3A_159, %dma_wait3A_160] : memref<200x8x32x8x128xf32, #tpu.memory_space<hbm>> -> memref<1x1x1x8x128xf32, #tpu.memory_space<hbm>>
    %dma_wait3A_162 = tpu.memref_squeeze %dma_wait3A_161 : memref<1x1x1x8x128xf32, #tpu.memory_space<hbm>> -> memref<8x128xf32, #tpu.memory_space<hbm>>
    %dma_wait3A_163 = arith.constant 32 : i32
    %dma_wait3A_164 = arith.constant 0 : i32
    %dma_wait3A_165 = tpu.memref_slice %arg9[%dma_wait3A_145, %dma_wait3A_163, %dma_wait3A_164] : memref<2x64x129xf32, #tpu.memory_space<vmem>> -> memref<1x8x128xf32, #tpu.memory_space<vmem>>
    %dma_wait3A_166 = tpu.memref_squeeze %dma_wait3A_165 : memref<1x8x128xf32, #tpu.memory_space<vmem>> -> memref<8x128xf32, #tpu.memory_space<vmem>>
    tpu.wait_dma2 semaphore(%dma_wait3A_158 : memref<!tpu.dma_semaphore, #tpu.memory_space<semaphore_mem>>) src(%dma_wait3A_166 : memref<8x128xf32, #tpu.memory_space<vmem>>) dst(%dma_wait3A_162 : memref<8x128xf32, #tpu.memory_space<hbm>>)
    %dma_wait3A_167 = arith.constant 0 : i32
    %dma_wait3A_168 = arith.constant 198 : i32
    %dma_wait3A_169 = arith.constant 5 : i32
    %dma_wait3A_170 = arith.constant 0 : i32
    %dma_wait3A_171 = arith.constant 40 : i32
    %dma_wait3A_172 = arith.constant 0 : i32
    %dma_wait3A_173 = tpu.memref_slice %arg9[%dma_wait3A_167, %dma_wait3A_171, %dma_wait3A_172] : memref<2x64x129xf32, #tpu.memory_space<vmem>> -> memref<1x8x128xf32, #tpu.memory_space<vmem>>
    %dma_wait3A_174 = tpu.memref_squeeze %dma_wait3A_173 : memref<1x8x128xf32, #tpu.memory_space<vmem>> -> memref<8x128xf32, #tpu.memory_space<vmem>>
    %dma_wait3A_175 = arith.constant 0 : i32
    %dma_wait3A_176 = arith.constant 0 : i32
    %dma_wait3A_177 = tpu.memref_slice %arg5[%dma_wait3A_168, %dma_wait3A_169, %add3A, %dma_wait3A_175, %dma_wait3A_176] : memref<200x8x32x8x128xf32, #tpu.memory_space<hbm>> -> memref<1x1x1x8x128xf32, #tpu.memory_space<hbm>>
    %dma_wait3A_178 = tpu.memref_squeeze %dma_wait3A_177 : memref<1x1x1x8x128xf32, #tpu.memory_space<hbm>> -> memref<8x128xf32, #tpu.memory_space<hbm>>
    %dma_wait3A_179 = tpu.memref_slice %arg11[%dma_wait3A_170] : memref<2x!tpu.dma_semaphore, #tpu.memory_space<semaphore_mem>> -> memref<1x!tpu.dma_semaphore, #tpu.memory_space<semaphore_mem>>
    %dma_wait3A_180 = tpu.memref_squeeze %dma_wait3A_179 : memref<1x!tpu.dma_semaphore, #tpu.memory_space<semaphore_mem>> -> memref<!tpu.dma_semaphore, #tpu.memory_space<semaphore_mem>>
    %dma_wait3A_181 = arith.constant 0 : i32
    %dma_wait3A_182 = arith.constant 0 : i32
    %dma_wait3A_183 = tpu.memref_slice %arg5[%dma_wait3A_168, %dma_wait3A_169, %add3A, %dma_wait3A_181, %dma_wait3A_182] : memref<200x8x32x8x128xf32, #tpu.memory_space<hbm>> -> memref<1x1x1x8x128xf32, #tpu.memory_space<hbm>>
    %dma_wait3A_184 = tpu.memref_squeeze %dma_wait3A_183 : memref<1x1x1x8x128xf32, #tpu.memory_space<hbm>> -> memref<8x128xf32, #tpu.memory_space<hbm>>
    %dma_wait3A_185 = arith.constant 40 : i32
    %dma_wait3A_186 = arith.constant 0 : i32
    %dma_wait3A_187 = tpu.memref_slice %arg9[%dma_wait3A_167, %dma_wait3A_185, %dma_wait3A_186] : memref<2x64x129xf32, #tpu.memory_space<vmem>> -> memref<1x8x128xf32, #tpu.memory_space<vmem>>
    %dma_wait3A_188 = tpu.memref_squeeze %dma_wait3A_187 : memref<1x8x128xf32, #tpu.memory_space<vmem>> -> memref<8x128xf32, #tpu.memory_space<vmem>>
    tpu.wait_dma2 semaphore(%dma_wait3A_180 : memref<!tpu.dma_semaphore, #tpu.memory_space<semaphore_mem>>) src(%dma_wait3A_188 : memref<8x128xf32, #tpu.memory_space<vmem>>) dst(%dma_wait3A_184 : memref<8x128xf32, #tpu.memory_space<hbm>>)
    %dma_wait3A_189 = arith.constant 0 : i32
    %dma_wait3A_190 = arith.constant 198 : i32
    %dma_wait3A_191 = arith.constant 6 : i32
    %dma_wait3A_192 = arith.constant 0 : i32
    %dma_wait3A_193 = arith.constant 48 : i32
    %dma_wait3A_194 = arith.constant 0 : i32
    %dma_wait3A_195 = tpu.memref_slice %arg9[%dma_wait3A_189, %dma_wait3A_193, %dma_wait3A_194] : memref<2x64x129xf32, #tpu.memory_space<vmem>> -> memref<1x8x128xf32, #tpu.memory_space<vmem>>
    %dma_wait3A_196 = tpu.memref_squeeze %dma_wait3A_195 : memref<1x8x128xf32, #tpu.memory_space<vmem>> -> memref<8x128xf32, #tpu.memory_space<vmem>>
    %dma_wait3A_197 = arith.constant 0 : i32
    %dma_wait3A_198 = arith.constant 0 : i32
    %dma_wait3A_199 = tpu.memref_slice %arg5[%dma_wait3A_190, %dma_wait3A_191, %add3A, %dma_wait3A_197, %dma_wait3A_198] : memref<200x8x32x8x128xf32, #tpu.memory_space<hbm>> -> memref<1x1x1x8x128xf32, #tpu.memory_space<hbm>>
    %dma_wait3A_200 = tpu.memref_squeeze %dma_wait3A_199 : memref<1x1x1x8x128xf32, #tpu.memory_space<hbm>> -> memref<8x128xf32, #tpu.memory_space<hbm>>
    %dma_wait3A_201 = tpu.memref_slice %arg11[%dma_wait3A_192] : memref<2x!tpu.dma_semaphore, #tpu.memory_space<semaphore_mem>> -> memref<1x!tpu.dma_semaphore, #tpu.memory_space<semaphore_mem>>
    %dma_wait3A_202 = tpu.memref_squeeze %dma_wait3A_201 : memref<1x!tpu.dma_semaphore, #tpu.memory_space<semaphore_mem>> -> memref<!tpu.dma_semaphore, #tpu.memory_space<semaphore_mem>>
    %dma_wait3A_203 = arith.constant 0 : i32
    %dma_wait3A_204 = arith.constant 0 : i32
    %dma_wait3A_205 = tpu.memref_slice %arg5[%dma_wait3A_190, %dma_wait3A_191, %add3A, %dma_wait3A_203, %dma_wait3A_204] : memref<200x8x32x8x128xf32, #tpu.memory_space<hbm>> -> memref<1x1x1x8x128xf32, #tpu.memory_space<hbm>>
    %dma_wait3A_206 = tpu.memref_squeeze %dma_wait3A_205 : memref<1x1x1x8x128xf32, #tpu.memory_space<hbm>> -> memref<8x128xf32, #tpu.memory_space<hbm>>
    %dma_wait3A_207 = arith.constant 48 : i32
    %dma_wait3A_208 = arith.constant 0 : i32
    %dma_wait3A_209 = tpu.memref_slice %arg9[%dma_wait3A_189, %dma_wait3A_207, %dma_wait3A_208] : memref<2x64x129xf32, #tpu.memory_space<vmem>> -> memref<1x8x128xf32, #tpu.memory_space<vmem>>
    %dma_wait3A_210 = tpu.memref_squeeze %dma_wait3A_209 : memref<1x8x128xf32, #tpu.memory_space<vmem>> -> memref<8x128xf32, #tpu.memory_space<vmem>>
    tpu.wait_dma2 semaphore(%dma_wait3A_202 : memref<!tpu.dma_semaphore, #tpu.memory_space<semaphore_mem>>) src(%dma_wait3A_210 : memref<8x128xf32, #tpu.memory_space<vmem>>) dst(%dma_wait3A_206 : memref<8x128xf32, #tpu.memory_space<hbm>>)
    %dma_wait3A_211 = arith.constant 0 : i32
    %dma_wait3A_212 = arith.constant 198 : i32
    %dma_wait3A_213 = arith.constant 7 : i32
    %dma_wait3A_214 = arith.constant 0 : i32
    %dma_wait3A_215 = arith.constant 56 : i32
    %dma_wait3A_216 = arith.constant 0 : i32
    %dma_wait3A_217 = tpu.memref_slice %arg9[%dma_wait3A_211, %dma_wait3A_215, %dma_wait3A_216] : memref<2x64x129xf32, #tpu.memory_space<vmem>> -> memref<1x8x128xf32, #tpu.memory_space<vmem>>
    %dma_wait3A_218 = tpu.memref_squeeze %dma_wait3A_217 : memref<1x8x128xf32, #tpu.memory_space<vmem>> -> memref<8x128xf32, #tpu.memory_space<vmem>>
    %dma_wait3A_219 = arith.constant 0 : i32
    %dma_wait3A_220 = arith.constant 0 : i32
    %dma_wait3A_221 = tpu.memref_slice %arg5[%dma_wait3A_212, %dma_wait3A_213, %add3A, %dma_wait3A_219, %dma_wait3A_220] : memref<200x8x32x8x128xf32, #tpu.memory_space<hbm>> -> memref<1x1x1x8x128xf32, #tpu.memory_space<hbm>>
    %dma_wait3A_222 = tpu.memref_squeeze %dma_wait3A_221 : memref<1x1x1x8x128xf32, #tpu.memory_space<hbm>> -> memref<8x128xf32, #tpu.memory_space<hbm>>
    %dma_wait3A_223 = tpu.memref_slice %arg11[%dma_wait3A_214] : memref<2x!tpu.dma_semaphore, #tpu.memory_space<semaphore_mem>> -> memref<1x!tpu.dma_semaphore, #tpu.memory_space<semaphore_mem>>
    %dma_wait3A_224 = tpu.memref_squeeze %dma_wait3A_223 : memref<1x!tpu.dma_semaphore, #tpu.memory_space<semaphore_mem>> -> memref<!tpu.dma_semaphore, #tpu.memory_space<semaphore_mem>>
    %dma_wait3A_225 = arith.constant 0 : i32
    %dma_wait3A_226 = arith.constant 0 : i32
    %dma_wait3A_227 = tpu.memref_slice %arg5[%dma_wait3A_212, %dma_wait3A_213, %add3A, %dma_wait3A_225, %dma_wait3A_226] : memref<200x8x32x8x128xf32, #tpu.memory_space<hbm>> -> memref<1x1x1x8x128xf32, #tpu.memory_space<hbm>>
    %dma_wait3A_228 = tpu.memref_squeeze %dma_wait3A_227 : memref<1x1x1x8x128xf32, #tpu.memory_space<hbm>> -> memref<8x128xf32, #tpu.memory_space<hbm>>
    %dma_wait3A_229 = arith.constant 56 : i32
    %dma_wait3A_230 = arith.constant 0 : i32
    %dma_wait3A_231 = tpu.memref_slice %arg9[%dma_wait3A_211, %dma_wait3A_229, %dma_wait3A_230] : memref<2x64x129xf32, #tpu.memory_space<vmem>> -> memref<1x8x128xf32, #tpu.memory_space<vmem>>
    %dma_wait3A_232 = tpu.memref_squeeze %dma_wait3A_231 : memref<1x8x128xf32, #tpu.memory_space<vmem>> -> memref<8x128xf32, #tpu.memory_space<vmem>>
    tpu.wait_dma2 semaphore(%dma_wait3A_224 : memref<!tpu.dma_semaphore, #tpu.memory_space<semaphore_mem>>) src(%dma_wait3A_232 : memref<8x128xf32, #tpu.memory_space<vmem>>) dst(%dma_wait3A_228 : memref<8x128xf32, #tpu.memory_space<hbm>>)
    %dma_wait3A_233 = arith.constant 1 : i32
    %dma_wait3A_234 = arith.constant 199 : i32
    %dma_wait3A_235 = arith.constant 0 : i32
    %dma_wait3A_236 = arith.constant 1 : i32
    %dma_wait3A_237 = arith.constant 0 : i32
    %dma_wait3A_238 = arith.constant 0 : i32
    %dma_wait3A_239 = tpu.memref_slice %arg9[%dma_wait3A_233, %dma_wait3A_237, %dma_wait3A_238] : memref<2x64x129xf32, #tpu.memory_space<vmem>> -> memref<1x8x128xf32, #tpu.memory_space<vmem>>
    %dma_wait3A_240 = tpu.memref_squeeze %dma_wait3A_239 : memref<1x8x128xf32, #tpu.memory_space<vmem>> -> memref<8x128xf32, #tpu.memory_space<vmem>>
    %dma_wait3A_241 = arith.constant 0 : i32
    %dma_wait3A_242 = arith.constant 0 : i32
    %dma_wait3A_243 = tpu.memref_slice %arg5[%dma_wait3A_234, %dma_wait3A_235, %add3A, %dma_wait3A_241, %dma_wait3A_242] : memref<200x8x32x8x128xf32, #tpu.memory_space<hbm>> -> memref<1x1x1x8x128xf32, #tpu.memory_space<hbm>>
    %dma_wait3A_244 = tpu.memref_squeeze %dma_wait3A_243 : memref<1x1x1x8x128xf32, #tpu.memory_space<hbm>> -> memref<8x128xf32, #tpu.memory_space<hbm>>
    %dma_wait3A_245 = tpu.memref_slice %arg11[%dma_wait3A_236] : memref<2x!tpu.dma_semaphore, #tpu.memory_space<semaphore_mem>> -> memref<1x!tpu.dma_semaphore, #tpu.memory_space<semaphore_mem>>
    %dma_wait3A_246 = tpu.memref_squeeze %dma_wait3A_245 : memref<1x!tpu.dma_semaphore, #tpu.memory_space<semaphore_mem>> -> memref<!tpu.dma_semaphore, #tpu.memory_space<semaphore_mem>>
    %dma_wait3A_247 = arith.constant 0 : i32
    %dma_wait3A_248 = arith.constant 0 : i32
    %dma_wait3A_249 = tpu.memref_slice %arg5[%dma_wait3A_234, %dma_wait3A_235, %add3A, %dma_wait3A_247, %dma_wait3A_248] : memref<200x8x32x8x128xf32, #tpu.memory_space<hbm>> -> memref<1x1x1x8x128xf32, #tpu.memory_space<hbm>>
    %dma_wait3A_250 = tpu.memref_squeeze %dma_wait3A_249 : memref<1x1x1x8x128xf32, #tpu.memory_space<hbm>> -> memref<8x128xf32, #tpu.memory_space<hbm>>
    %dma_wait3A_251 = arith.constant 0 : i32
    %dma_wait3A_252 = arith.constant 0 : i32
    %dma_wait3A_253 = tpu.memref_slice %arg9[%dma_wait3A_233, %dma_wait3A_251, %dma_wait3A_252] : memref<2x64x129xf32, #tpu.memory_space<vmem>> -> memref<1x8x128xf32, #tpu.memory_space<vmem>>
    %dma_wait3A_254 = tpu.memref_squeeze %dma_wait3A_253 : memref<1x8x128xf32, #tpu.memory_space<vmem>> -> memref<8x128xf32, #tpu.memory_space<vmem>>
    tpu.wait_dma2 semaphore(%dma_wait3A_246 : memref<!tpu.dma_semaphore, #tpu.memory_space<semaphore_mem>>) src(%dma_wait3A_254 : memref<8x128xf32, #tpu.memory_space<vmem>>) dst(%dma_wait3A_250 : memref<8x128xf32, #tpu.memory_space<hbm>>)
    %dma_wait3A_255 = arith.constant 1 : i32
    %dma_wait3A_256 = arith.constant 199 : i32
    %dma_wait3A_257 = arith.constant 1 : i32
    %dma_wait3A_258 = arith.constant 1 : i32
    %dma_wait3A_259 = arith.constant 8 : i32
    %dma_wait3A_260 = arith.constant 0 : i32
    %dma_wait3A_261 = tpu.memref_slice %arg9[%dma_wait3A_255, %dma_wait3A_259, %dma_wait3A_260] : memref<2x64x129xf32, #tpu.memory_space<vmem>> -> memref<1x8x128xf32, #tpu.memory_space<vmem>>
    %dma_wait3A_262 = tpu.memref_squeeze %dma_wait3A_261 : memref<1x8x128xf32, #tpu.memory_space<vmem>> -> memref<8x128xf32, #tpu.memory_space<vmem>>
    %dma_wait3A_263 = arith.constant 0 : i32
    %dma_wait3A_264 = arith.constant 0 : i32
    %dma_wait3A_265 = tpu.memref_slice %arg5[%dma_wait3A_256, %dma_wait3A_257, %add3A, %dma_wait3A_263, %dma_wait3A_264] : memref<200x8x32x8x128xf32, #tpu.memory_space<hbm>> -> memref<1x1x1x8x128xf32, #tpu.memory_space<hbm>>
    %dma_wait3A_266 = tpu.memref_squeeze %dma_wait3A_265 : memref<1x1x1x8x128xf32, #tpu.memory_space<hbm>> -> memref<8x128xf32, #tpu.memory_space<hbm>>
    %dma_wait3A_267 = tpu.memref_slice %arg11[%dma_wait3A_258] : memref<2x!tpu.dma_semaphore, #tpu.memory_space<semaphore_mem>> -> memref<1x!tpu.dma_semaphore, #tpu.memory_space<semaphore_mem>>
    %dma_wait3A_268 = tpu.memref_squeeze %dma_wait3A_267 : memref<1x!tpu.dma_semaphore, #tpu.memory_space<semaphore_mem>> -> memref<!tpu.dma_semaphore, #tpu.memory_space<semaphore_mem>>
    %dma_wait3A_269 = arith.constant 0 : i32
    %dma_wait3A_270 = arith.constant 0 : i32
    %dma_wait3A_271 = tpu.memref_slice %arg5[%dma_wait3A_256, %dma_wait3A_257, %add3A, %dma_wait3A_269, %dma_wait3A_270] : memref<200x8x32x8x128xf32, #tpu.memory_space<hbm>> -> memref<1x1x1x8x128xf32, #tpu.memory_space<hbm>>
    %dma_wait3A_272 = tpu.memref_squeeze %dma_wait3A_271 : memref<1x1x1x8x128xf32, #tpu.memory_space<hbm>> -> memref<8x128xf32, #tpu.memory_space<hbm>>
    %dma_wait3A_273 = arith.constant 8 : i32
    %dma_wait3A_274 = arith.constant 0 : i32
    %dma_wait3A_275 = tpu.memref_slice %arg9[%dma_wait3A_255, %dma_wait3A_273, %dma_wait3A_274] : memref<2x64x129xf32, #tpu.memory_space<vmem>> -> memref<1x8x128xf32, #tpu.memory_space<vmem>>
    %dma_wait3A_276 = tpu.memref_squeeze %dma_wait3A_275 : memref<1x8x128xf32, #tpu.memory_space<vmem>> -> memref<8x128xf32, #tpu.memory_space<vmem>>
    tpu.wait_dma2 semaphore(%dma_wait3A_268 : memref<!tpu.dma_semaphore, #tpu.memory_space<semaphore_mem>>) src(%dma_wait3A_276 : memref<8x128xf32, #tpu.memory_space<vmem>>) dst(%dma_wait3A_272 : memref<8x128xf32, #tpu.memory_space<hbm>>)
    %dma_wait3A_277 = arith.constant 1 : i32
    %dma_wait3A_278 = arith.constant 199 : i32
    %dma_wait3A_279 = arith.constant 2 : i32
    %dma_wait3A_280 = arith.constant 1 : i32
    %dma_wait3A_281 = arith.constant 16 : i32
    %dma_wait3A_282 = arith.constant 0 : i32
    %dma_wait3A_283 = tpu.memref_slice %arg9[%dma_wait3A_277, %dma_wait3A_281, %dma_wait3A_282] : memref<2x64x129xf32, #tpu.memory_space<vmem>> -> memref<1x8x128xf32, #tpu.memory_space<vmem>>
    %dma_wait3A_284 = tpu.memref_squeeze %dma_wait3A_283 : memref<1x8x128xf32, #tpu.memory_space<vmem>> -> memref<8x128xf32, #tpu.memory_space<vmem>>
    %dma_wait3A_285 = arith.constant 0 : i32
    %dma_wait3A_286 = arith.constant 0 : i32
    %dma_wait3A_287 = tpu.memref_slice %arg5[%dma_wait3A_278, %dma_wait3A_279, %add3A, %dma_wait3A_285, %dma_wait3A_286] : memref<200x8x32x8x128xf32, #tpu.memory_space<hbm>> -> memref<1x1x1x8x128xf32, #tpu.memory_space<hbm>>
    %dma_wait3A_288 = tpu.memref_squeeze %dma_wait3A_287 : memref<1x1x1x8x128xf32, #tpu.memory_space<hbm>> -> memref<8x128xf32, #tpu.memory_space<hbm>>
    %dma_wait3A_289 = tpu.memref_slice %arg11[%dma_wait3A_280] : memref<2x!tpu.dma_semaphore, #tpu.memory_space<semaphore_mem>> -> memref<1x!tpu.dma_semaphore, #tpu.memory_space<semaphore_mem>>
    %dma_wait3A_290 = tpu.memref_squeeze %dma_wait3A_289 : memref<1x!tpu.dma_semaphore, #tpu.memory_space<semaphore_mem>> -> memref<!tpu.dma_semaphore, #tpu.memory_space<semaphore_mem>>
    %dma_wait3A_291 = arith.constant 0 : i32
    %dma_wait3A_292 = arith.constant 0 : i32
    %dma_wait3A_293 = tpu.memref_slice %arg5[%dma_wait3A_278, %dma_wait3A_279, %add3A, %dma_wait3A_291, %dma_wait3A_292] : memref<200x8x32x8x128xf32, #tpu.memory_space<hbm>> -> memref<1x1x1x8x128xf32, #tpu.memory_space<hbm>>
    %dma_wait3A_294 = tpu.memref_squeeze %dma_wait3A_293 : memref<1x1x1x8x128xf32, #tpu.memory_space<hbm>> -> memref<8x128xf32, #tpu.memory_space<hbm>>
    %dma_wait3A_295 = arith.constant 16 : i32
    %dma_wait3A_296 = arith.constant 0 : i32
    %dma_wait3A_297 = tpu.memref_slice %arg9[%dma_wait3A_277, %dma_wait3A_295, %dma_wait3A_296] : memref<2x64x129xf32, #tpu.memory_space<vmem>> -> memref<1x8x128xf32, #tpu.memory_space<vmem>>
    %dma_wait3A_298 = tpu.memref_squeeze %dma_wait3A_297 : memref<1x8x128xf32, #tpu.memory_space<vmem>> -> memref<8x128xf32, #tpu.memory_space<vmem>>
    tpu.wait_dma2 semaphore(%dma_wait3A_290 : memref<!tpu.dma_semaphore, #tpu.memory_space<semaphore_mem>>) src(%dma_wait3A_298 : memref<8x128xf32, #tpu.memory_space<vmem>>) dst(%dma_wait3A_294 : memref<8x128xf32, #tpu.memory_space<hbm>>)
    %dma_wait3A_299 = arith.constant 1 : i32
    %dma_wait3A_300 = arith.constant 199 : i32
    %dma_wait3A_301 = arith.constant 3 : i32
    %dma_wait3A_302 = arith.constant 1 : i32
    %dma_wait3A_303 = arith.constant 24 : i32
    %dma_wait3A_304 = arith.constant 0 : i32
    %dma_wait3A_305 = tpu.memref_slice %arg9[%dma_wait3A_299, %dma_wait3A_303, %dma_wait3A_304] : memref<2x64x129xf32, #tpu.memory_space<vmem>> -> memref<1x8x128xf32, #tpu.memory_space<vmem>>
    %dma_wait3A_306 = tpu.memref_squeeze %dma_wait3A_305 : memref<1x8x128xf32, #tpu.memory_space<vmem>> -> memref<8x128xf32, #tpu.memory_space<vmem>>
    %dma_wait3A_307 = arith.constant 0 : i32
    %dma_wait3A_308 = arith.constant 0 : i32
    %dma_wait3A_309 = tpu.memref_slice %arg5[%dma_wait3A_300, %dma_wait3A_301, %add3A, %dma_wait3A_307, %dma_wait3A_308] : memref<200x8x32x8x128xf32, #tpu.memory_space<hbm>> -> memref<1x1x1x8x128xf32, #tpu.memory_space<hbm>>
    %dma_wait3A_310 = tpu.memref_squeeze %dma_wait3A_309 : memref<1x1x1x8x128xf32, #tpu.memory_space<hbm>> -> memref<8x128xf32, #tpu.memory_space<hbm>>
    %dma_wait3A_311 = tpu.memref_slice %arg11[%dma_wait3A_302] : memref<2x!tpu.dma_semaphore, #tpu.memory_space<semaphore_mem>> -> memref<1x!tpu.dma_semaphore, #tpu.memory_space<semaphore_mem>>
    %dma_wait3A_312 = tpu.memref_squeeze %dma_wait3A_311 : memref<1x!tpu.dma_semaphore, #tpu.memory_space<semaphore_mem>> -> memref<!tpu.dma_semaphore, #tpu.memory_space<semaphore_mem>>
    %dma_wait3A_313 = arith.constant 0 : i32
    %dma_wait3A_314 = arith.constant 0 : i32
    %dma_wait3A_315 = tpu.memref_slice %arg5[%dma_wait3A_300, %dma_wait3A_301, %add3A, %dma_wait3A_313, %dma_wait3A_314] : memref<200x8x32x8x128xf32, #tpu.memory_space<hbm>> -> memref<1x1x1x8x128xf32, #tpu.memory_space<hbm>>
    %dma_wait3A_316 = tpu.memref_squeeze %dma_wait3A_315 : memref<1x1x1x8x128xf32, #tpu.memory_space<hbm>> -> memref<8x128xf32, #tpu.memory_space<hbm>>
    %dma_wait3A_317 = arith.constant 24 : i32
    %dma_wait3A_318 = arith.constant 0 : i32
    %dma_wait3A_319 = tpu.memref_slice %arg9[%dma_wait3A_299, %dma_wait3A_317, %dma_wait3A_318] : memref<2x64x129xf32, #tpu.memory_space<vmem>> -> memref<1x8x128xf32, #tpu.memory_space<vmem>>
    %dma_wait3A_320 = tpu.memref_squeeze %dma_wait3A_319 : memref<1x8x128xf32, #tpu.memory_space<vmem>> -> memref<8x128xf32, #tpu.memory_space<vmem>>
    tpu.wait_dma2 semaphore(%dma_wait3A_312 : memref<!tpu.dma_semaphore, #tpu.memory_space<semaphore_mem>>) src(%dma_wait3A_320 : memref<8x128xf32, #tpu.memory_space<vmem>>) dst(%dma_wait3A_316 : memref<8x128xf32, #tpu.memory_space<hbm>>)
    %dma_wait3A_321 = arith.constant 1 : i32
    %dma_wait3A_322 = arith.constant 199 : i32
    %dma_wait3A_323 = arith.constant 4 : i32
    %dma_wait3A_324 = arith.constant 1 : i32
    %dma_wait3A_325 = arith.constant 32 : i32
    %dma_wait3A_326 = arith.constant 0 : i32
    %dma_wait3A_327 = tpu.memref_slice %arg9[%dma_wait3A_321, %dma_wait3A_325, %dma_wait3A_326] : memref<2x64x129xf32, #tpu.memory_space<vmem>> -> memref<1x8x128xf32, #tpu.memory_space<vmem>>
    %dma_wait3A_328 = tpu.memref_squeeze %dma_wait3A_327 : memref<1x8x128xf32, #tpu.memory_space<vmem>> -> memref<8x128xf32, #tpu.memory_space<vmem>>
    %dma_wait3A_329 = arith.constant 0 : i32
    %dma_wait3A_330 = arith.constant 0 : i32
    %dma_wait3A_331 = tpu.memref_slice %arg5[%dma_wait3A_322, %dma_wait3A_323, %add3A, %dma_wait3A_329, %dma_wait3A_330] : memref<200x8x32x8x128xf32, #tpu.memory_space<hbm>> -> memref<1x1x1x8x128xf32, #tpu.memory_space<hbm>>
    %dma_wait3A_332 = tpu.memref_squeeze %dma_wait3A_331 : memref<1x1x1x8x128xf32, #tpu.memory_space<hbm>> -> memref<8x128xf32, #tpu.memory_space<hbm>>
    %dma_wait3A_333 = tpu.memref_slice %arg11[%dma_wait3A_324] : memref<2x!tpu.dma_semaphore, #tpu.memory_space<semaphore_mem>> -> memref<1x!tpu.dma_semaphore, #tpu.memory_space<semaphore_mem>>
    %dma_wait3A_334 = tpu.memref_squeeze %dma_wait3A_333 : memref<1x!tpu.dma_semaphore, #tpu.memory_space<semaphore_mem>> -> memref<!tpu.dma_semaphore, #tpu.memory_space<semaphore_mem>>
    %dma_wait3A_335 = arith.constant 0 : i32
    %dma_wait3A_336 = arith.constant 0 : i32
    %dma_wait3A_337 = tpu.memref_slice %arg5[%dma_wait3A_322, %dma_wait3A_323, %add3A, %dma_wait3A_335, %dma_wait3A_336] : memref<200x8x32x8x128xf32, #tpu.memory_space<hbm>> -> memref<1x1x1x8x128xf32, #tpu.memory_space<hbm>>
    %dma_wait3A_338 = tpu.memref_squeeze %dma_wait3A_337 : memref<1x1x1x8x128xf32, #tpu.memory_space<hbm>> -> memref<8x128xf32, #tpu.memory_space<hbm>>
    %dma_wait3A_339 = arith.constant 32 : i32
    %dma_wait3A_340 = arith.constant 0 : i32
    %dma_wait3A_341 = tpu.memref_slice %arg9[%dma_wait3A_321, %dma_wait3A_339, %dma_wait3A_340] : memref<2x64x129xf32, #tpu.memory_space<vmem>> -> memref<1x8x128xf32, #tpu.memory_space<vmem>>
    %dma_wait3A_342 = tpu.memref_squeeze %dma_wait3A_341 : memref<1x8x128xf32, #tpu.memory_space<vmem>> -> memref<8x128xf32, #tpu.memory_space<vmem>>
    tpu.wait_dma2 semaphore(%dma_wait3A_334 : memref<!tpu.dma_semaphore, #tpu.memory_space<semaphore_mem>>) src(%dma_wait3A_342 : memref<8x128xf32, #tpu.memory_space<vmem>>) dst(%dma_wait3A_338 : memref<8x128xf32, #tpu.memory_space<hbm>>)
    %dma_wait3A_343 = arith.constant 1 : i32
    %dma_wait3A_344 = arith.constant 199 : i32
    %dma_wait3A_345 = arith.constant 5 : i32
    %dma_wait3A_346 = arith.constant 1 : i32
    %dma_wait3A_347 = arith.constant 40 : i32
    %dma_wait3A_348 = arith.constant 0 : i32
    %dma_wait3A_349 = tpu.memref_slice %arg9[%dma_wait3A_343, %dma_wait3A_347, %dma_wait3A_348] : memref<2x64x129xf32, #tpu.memory_space<vmem>> -> memref<1x8x128xf32, #tpu.memory_space<vmem>>
    %dma_wait3A_350 = tpu.memref_squeeze %dma_wait3A_349 : memref<1x8x128xf32, #tpu.memory_space<vmem>> -> memref<8x128xf32, #tpu.memory_space<vmem>>
    %dma_wait3A_351 = arith.constant 0 : i32
    %dma_wait3A_352 = arith.constant 0 : i32
    %dma_wait3A_353 = tpu.memref_slice %arg5[%dma_wait3A_344, %dma_wait3A_345, %add3A, %dma_wait3A_351, %dma_wait3A_352] : memref<200x8x32x8x128xf32, #tpu.memory_space<hbm>> -> memref<1x1x1x8x128xf32, #tpu.memory_space<hbm>>
    %dma_wait3A_354 = tpu.memref_squeeze %dma_wait3A_353 : memref<1x1x1x8x128xf32, #tpu.memory_space<hbm>> -> memref<8x128xf32, #tpu.memory_space<hbm>>
    %dma_wait3A_355 = tpu.memref_slice %arg11[%dma_wait3A_346] : memref<2x!tpu.dma_semaphore, #tpu.memory_space<semaphore_mem>> -> memref<1x!tpu.dma_semaphore, #tpu.memory_space<semaphore_mem>>
    %dma_wait3A_356 = tpu.memref_squeeze %dma_wait3A_355 : memref<1x!tpu.dma_semaphore, #tpu.memory_space<semaphore_mem>> -> memref<!tpu.dma_semaphore, #tpu.memory_space<semaphore_mem>>
    %dma_wait3A_357 = arith.constant 0 : i32
    %dma_wait3A_358 = arith.constant 0 : i32
    %dma_wait3A_359 = tpu.memref_slice %arg5[%dma_wait3A_344, %dma_wait3A_345, %add3A, %dma_wait3A_357, %dma_wait3A_358] : memref<200x8x32x8x128xf32, #tpu.memory_space<hbm>> -> memref<1x1x1x8x128xf32, #tpu.memory_space<hbm>>
    %dma_wait3A_360 = tpu.memref_squeeze %dma_wait3A_359 : memref<1x1x1x8x128xf32, #tpu.memory_space<hbm>> -> memref<8x128xf32, #tpu.memory_space<hbm>>
    %dma_wait3A_361 = arith.constant 40 : i32
    %dma_wait3A_362 = arith.constant 0 : i32
    %dma_wait3A_363 = tpu.memref_slice %arg9[%dma_wait3A_343, %dma_wait3A_361, %dma_wait3A_362] : memref<2x64x129xf32, #tpu.memory_space<vmem>> -> memref<1x8x128xf32, #tpu.memory_space<vmem>>
    %dma_wait3A_364 = tpu.memref_squeeze %dma_wait3A_363 : memref<1x8x128xf32, #tpu.memory_space<vmem>> -> memref<8x128xf32, #tpu.memory_space<vmem>>
    tpu.wait_dma2 semaphore(%dma_wait3A_356 : memref<!tpu.dma_semaphore, #tpu.memory_space<semaphore_mem>>) src(%dma_wait3A_364 : memref<8x128xf32, #tpu.memory_space<vmem>>) dst(%dma_wait3A_360 : memref<8x128xf32, #tpu.memory_space<hbm>>)
    %dma_wait3A_365 = arith.constant 1 : i32
    %dma_wait3A_366 = arith.constant 199 : i32
    %dma_wait3A_367 = arith.constant 6 : i32
    %dma_wait3A_368 = arith.constant 1 : i32
    %dma_wait3A_369 = arith.constant 48 : i32
    %dma_wait3A_370 = arith.constant 0 : i32
    %dma_wait3A_371 = tpu.memref_slice %arg9[%dma_wait3A_365, %dma_wait3A_369, %dma_wait3A_370] : memref<2x64x129xf32, #tpu.memory_space<vmem>> -> memref<1x8x128xf32, #tpu.memory_space<vmem>>
    %dma_wait3A_372 = tpu.memref_squeeze %dma_wait3A_371 : memref<1x8x128xf32, #tpu.memory_space<vmem>> -> memref<8x128xf32, #tpu.memory_space<vmem>>
    %dma_wait3A_373 = arith.constant 0 : i32
    %dma_wait3A_374 = arith.constant 0 : i32
    %dma_wait3A_375 = tpu.memref_slice %arg5[%dma_wait3A_366, %dma_wait3A_367, %add3A, %dma_wait3A_373, %dma_wait3A_374] : memref<200x8x32x8x128xf32, #tpu.memory_space<hbm>> -> memref<1x1x1x8x128xf32, #tpu.memory_space<hbm>>
    %dma_wait3A_376 = tpu.memref_squeeze %dma_wait3A_375 : memref<1x1x1x8x128xf32, #tpu.memory_space<hbm>> -> memref<8x128xf32, #tpu.memory_space<hbm>>
    %dma_wait3A_377 = tpu.memref_slice %arg11[%dma_wait3A_368] : memref<2x!tpu.dma_semaphore, #tpu.memory_space<semaphore_mem>> -> memref<1x!tpu.dma_semaphore, #tpu.memory_space<semaphore_mem>>
    %dma_wait3A_378 = tpu.memref_squeeze %dma_wait3A_377 : memref<1x!tpu.dma_semaphore, #tpu.memory_space<semaphore_mem>> -> memref<!tpu.dma_semaphore, #tpu.memory_space<semaphore_mem>>
    %dma_wait3A_379 = arith.constant 0 : i32
    %dma_wait3A_380 = arith.constant 0 : i32
    %dma_wait3A_381 = tpu.memref_slice %arg5[%dma_wait3A_366, %dma_wait3A_367, %add3A, %dma_wait3A_379, %dma_wait3A_380] : memref<200x8x32x8x128xf32, #tpu.memory_space<hbm>> -> memref<1x1x1x8x128xf32, #tpu.memory_space<hbm>>
    %dma_wait3A_382 = tpu.memref_squeeze %dma_wait3A_381 : memref<1x1x1x8x128xf32, #tpu.memory_space<hbm>> -> memref<8x128xf32, #tpu.memory_space<hbm>>
    %dma_wait3A_383 = arith.constant 48 : i32
    %dma_wait3A_384 = arith.constant 0 : i32
    %dma_wait3A_385 = tpu.memref_slice %arg9[%dma_wait3A_365, %dma_wait3A_383, %dma_wait3A_384] : memref<2x64x129xf32, #tpu.memory_space<vmem>> -> memref<1x8x128xf32, #tpu.memory_space<vmem>>
    %dma_wait3A_386 = tpu.memref_squeeze %dma_wait3A_385 : memref<1x8x128xf32, #tpu.memory_space<vmem>> -> memref<8x128xf32, #tpu.memory_space<vmem>>
    tpu.wait_dma2 semaphore(%dma_wait3A_378 : memref<!tpu.dma_semaphore, #tpu.memory_space<semaphore_mem>>) src(%dma_wait3A_386 : memref<8x128xf32, #tpu.memory_space<vmem>>) dst(%dma_wait3A_382 : memref<8x128xf32, #tpu.memory_space<hbm>>)
    %dma_wait3A_387 = arith.constant 1 : i32
    %dma_wait3A_388 = arith.constant 199 : i32
    %dma_wait3A_389 = arith.constant 7 : i32
    %dma_wait3A_390 = arith.constant 1 : i32
    %dma_wait3A_391 = arith.constant 56 : i32
    %dma_wait3A_392 = arith.constant 0 : i32
    %dma_wait3A_393 = tpu.memref_slice %arg9[%dma_wait3A_387, %dma_wait3A_391, %dma_wait3A_392] : memref<2x64x129xf32, #tpu.memory_space<vmem>> -> memref<1x8x128xf32, #tpu.memory_space<vmem>>
    %dma_wait3A_394 = tpu.memref_squeeze %dma_wait3A_393 : memref<1x8x128xf32, #tpu.memory_space<vmem>> -> memref<8x128xf32, #tpu.memory_space<vmem>>
    %dma_wait3A_395 = arith.constant 0 : i32
    %dma_wait3A_396 = arith.constant 0 : i32
    %dma_wait3A_397 = tpu.memref_slice %arg5[%dma_wait3A_388, %dma_wait3A_389, %add3A, %dma_wait3A_395, %dma_wait3A_396] : memref<200x8x32x8x128xf32, #tpu.memory_space<hbm>> -> memref<1x1x1x8x128xf32, #tpu.memory_space<hbm>>
    %dma_wait3A_398 = tpu.memref_squeeze %dma_wait3A_397 : memref<1x1x1x8x128xf32, #tpu.memory_space<hbm>> -> memref<8x128xf32, #tpu.memory_space<hbm>>
    %dma_wait3A_399 = tpu.memref_slice %arg11[%dma_wait3A_390] : memref<2x!tpu.dma_semaphore, #tpu.memory_space<semaphore_mem>> -> memref<1x!tpu.dma_semaphore, #tpu.memory_space<semaphore_mem>>
    %dma_wait3A_400 = tpu.memref_squeeze %dma_wait3A_399 : memref<1x!tpu.dma_semaphore, #tpu.memory_space<semaphore_mem>> -> memref<!tpu.dma_semaphore, #tpu.memory_space<semaphore_mem>>
    %dma_wait3A_401 = arith.constant 0 : i32
    %dma_wait3A_402 = arith.constant 0 : i32
    %dma_wait3A_403 = tpu.memref_slice %arg5[%dma_wait3A_388, %dma_wait3A_389, %add3A, %dma_wait3A_401, %dma_wait3A_402] : memref<200x8x32x8x128xf32, #tpu.memory_space<hbm>> -> memref<1x1x1x8x128xf32, #tpu.memory_space<hbm>>
    %dma_wait3A_404 = tpu.memref_squeeze %dma_wait3A_403 : memref<1x1x1x8x128xf32, #tpu.memory_space<hbm>> -> memref<8x128xf32, #tpu.memory_space<hbm>>
    %dma_wait3A_405 = arith.constant 56 : i32
    %dma_wait3A_406 = arith.constant 0 : i32
    %dma_wait3A_407 = tpu.memref_slice %arg9[%dma_wait3A_387, %dma_wait3A_405, %dma_wait3A_406] : memref<2x64x129xf32, #tpu.memory_space<vmem>> -> memref<1x8x128xf32, #tpu.memory_space<vmem>>
    %dma_wait3A_408 = tpu.memref_squeeze %dma_wait3A_407 : memref<1x8x128xf32, #tpu.memory_space<vmem>> -> memref<8x128xf32, #tpu.memory_space<vmem>>
    tpu.wait_dma2 semaphore(%dma_wait3A_400 : memref<!tpu.dma_semaphore, #tpu.memory_space<semaphore_mem>>) src(%dma_wait3A_408 : memref<8x128xf32, #tpu.memory_space<vmem>>) dst(%dma_wait3A_404 : memref<8x128xf32, #tpu.memory_space<hbm>>)
    return
  }
}

</mosaic_0001>

<sc_bundles>
// kernel: kernel.3.cloned.1.call-start
scs
__scs_entry_jumppad:
0x0: {  	(pc) =	sbr.rel $0x88, $3  }
0x1: {  	(tag) =	ssettag $0x0;
	lr =	simm.s32 $0x1  }
0x2: {  	[smem:$0x3F9E] =	sst lr;
	_ =	strace $0xD0000000  }
0x3: {  	_ = 	snop  }
0x4: {  	_ = 	snop  }
0x5: {  	_ = 	snop  }
0x6: {  	_ = 	snop  }
0x7: {  	_ = 	snop  }
__scs_overlays_trampoline_lowered:
0x8: {  	[smem:$0x3FAD] =	sst s0  }
0x9: {  	[smem:$0x3FAE] =	sst s1  }
0xa: {  	[smem:$0x3FAF] =	sst s2  }
0xb: {  	[smem:$0x3FB0] =	sst s3  }
0xc: {  	[smem:$0x3FB1] =	sst s4  }
0xd: {  	[smem:$0x3FB2] =	sst s5  }
0xe: {  	[smem:$0x3FB3] =	sst s6  }
0xf: {  	[smem:$0x3FB4] =	sst s7  }
0x10: {  	[smem:$0x3FB5] =	sst s8  }
0x11: {  	[smem:$0x3FB6] =	sst s9;
	s0 =	simm.s32 @!p0 $0x0  }
0x12: {  	s1 =	sld [smem:$0x3F9C];
	s0 =	simm.s32 @p0 $0x1  }
0x13: {  	[smem:$0x3FB7] =	sst s0;
	s0 =	simm.s32 @!p1 $0x0  }
0x14: {  	s2 =	sld [smem:$0x3F9B];
	s0 =	simm.s32 @p1 $0x1  }
0x15: {  	[smem:$0x3FB8] =	sst s0;
	s0 =	simm.s32 @!p2 $0x0  }
0x16: {  	s3 =	sld [smem:$0x3FDB];
	s0 =	simm.s32 @p2 $0x1  }
0x17: {  	s4 =	simm.s32 $0x1BF5;
	[smem:$0x3FBA] =	sst s0  }
0x18: {  	s0 =	sld [smem:$0x3F9D];
	_ =	swait.ge [sflag:s4], $0x0  }
0x19: {  	s7 =	sld [smem:$0x3F9E]  }
0x1a: {  	s8 =	sadd.s32 $0xFFFFE003, lr  }
0x1b: {  	s9 =	sadd.s32 $0xFFFFFEF7, lr;
	s5 =	simm.s32 $0xFFFFFFFF;
	p2 =	slt.u32 s8, $0xFFFFF086  }
0x1c: {  	p1 =	slt.u32 s9, $0xF7A;
	s5 =	simm.s32 @!p2 $0x0  }
0x1d: {  	s5 =	simm.s32 @p1 $0x1;
	p0 =	seq.s32 s7, s2  }
0x1e: {  	s7 =	smul.u32 @!p0 $0xF7A, s2;
	p2 =	seq.s32 @!p0 s5, $0x0  }
0x1f: {  	s9 =	smul.u32 $0xF7A, s1;
	s8 =	simm.s32 @!p0 $0x1BF5;
	p2 =	por !p2, p0  }
0x20: {  	[sflag:s8] =	ssyncset.s32 @!p0 $0xFFFFF086;
	s6 =	sadd.s32 @!p0 s3, s7;
	s7 =	simm.s32 @!p0 $0x108  }
0x21: {  	s3 =	sadd.s32 s3, s9;
	s6 =	sadd.s32 @!p0 $0x88, s6;
	s7 =	simm.s32 @p2 $0x1082  }
0x22: {  	[simem:s7], [sflag:s8] =	dma.local @!p0 [hbm:s6], $0xF7A  }
0x23: {  	s9 =	sor.u32 $0xD0000000, s2;
	s6 =	simm.s32 $0x108;
	_ =	swait.ge @!p0 [sflag:s8], $0x0  }
0x24: {  	s3 =	sadd.s32 $0x88, s3;
	s6 =	simm.s32 @!p1 $0x1082;
	[sflag:s4] =	ssyncset.s32 $0xFFFFF086  }
0x25: {  	[simem:s6], [sflag:s4] =	dma.local [hbm:s3], $0xF7A  }
0x26: {  	[smem:$0x3F9E] =	sst s1;
	(tag) =	ssettag s2;
	_ =	strace s9  }
0x27: {  	s1 =	sld [smem:$0x3FAE]  }
0x28: {  	s2 =	sld [smem:$0x3FAF]  }
0x29: {  	s4 =	sld [smem:$0x3FB1]  }
0x2a: {  	p0 =	seq.s32 s5, $0x0;
	s5 =	sld [smem:$0x3FB2]  }
0x2b: {  	s6 =	sld [smem:$0x3FB3]  }
0x2c: {  	s7 =	sld [smem:$0x3FB4]  }
0x2d: {  	s3 =	simm.s32 $0x108;
	s8 =	sld [smem:$0x3FB5]  }
0x2e: {  	s3 =	simm.s32 @!p0 $0x1082;
	s9 =	sld [smem:$0x3FB6]  }
0x2f: {  	lr =	sadd.s32 s0, s3;
	s0 =	sld [smem:$0x3FAD]  }
0x30: {  	s3 =	sld [smem:$0x3FB0]  }
0x31: {  	[smem:$0x3FB9] =	sst s10  }
0x32: {  	s10 =	sld [smem:$0x3FB7];
	_ =	sdelay $0x3  }
0x33: {  	p0 =	seq.s32 s10, $0x1;
	s10 =	sld [smem:$0x3FB9];
	_ =	sdelay $0x3  }
0x34: {  	[smem:$0x3FB9] =	sst s10  }
0x35: {  	s10 =	sld [smem:$0x3FB8];
	_ =	sdelay $0x3  }
0x36: {  	p1 =	seq.s32 s10, $0x1;
	s10 =	sld [smem:$0x3FB9];
	_ =	sdelay $0x3  }
0x37: {  	[smem:$0x3FB9] =	sst s10  }
0x38: {  	s10 =	sld [smem:$0x3FBA]  }
0x39: {  	_ = 	snop;
	(pc) =	sbr.ind lr, $3  }
0x3a: {  	_ = 	snop  }
0x3b: {  	_ = 	snop  }
0x3c: {  	p2 =	seq.s32 s10, $0x1;
	s10 =	sld [smem:$0x3FB9]  }
0x3d: {  	_ =	shalt  }
0x3e: {  	_ =	shalt  }
0x3f: {  	_ =	shalt  }
0x40: {  	_ =	shalt  }
0x41: {  	_ =	shalt  }
0x42: {  	_ =	shalt  }
0x43: {  	_ =	shalt  }
0x44: {  	_ =	shalt  }
0x45: {  	_ =	shalt  }
0x46: {  	_ =	shalt  }
0x47: {  	_ =	shalt  }
0x48: {  	_ =	shalt  }
0x49: {  	_ =	shalt  }
0x4a: {  	_ =	shalt  }
0x4b: {  	_ =	shalt  }
0x4c: {  	_ =	shalt  }
0x4d: {  	_ =	shalt  }
0x4e: {  	_ =	shalt  }
0x4f: {  	_ =	shalt  }
0x50: {  	_ =	shalt  }
0x51: {  	_ =	shalt  }
0x52: {  	_ =	shalt  }
0x53: {  	_ =	shalt  }
0x54: {  	_ =	shalt  }
0x55: {  	_ =	shalt  }
0x56: {  	_ =	shalt  }
0x57: {  	_ =	shalt  }
0x58: {  	_ =	shalt  }
0x59: {  	_ =	shalt  }
0x5a: {  	_ =	shalt  }
0x5b: {  	_ =	shalt  }
0x5c: {  	_ =	shalt  }
0x5d: {  	_ =	shalt  }
0x5e: {  	_ =	shalt  }
0x5f: {  	_ =	shalt  }
0x60: {  	_ =	shalt  }
0x61: {  	_ =	shalt  }
0x62: {  	_ =	shalt  }
0x63: {  	_ =	shalt  }
0x64: {  	_ =	shalt  }
0x65: {  	_ =	shalt  }
0x66: {  	_ =	shalt  }
0x67: {  	_ =	shalt  }
0x68: {  	_ =	shalt  }
0x69: {  	_ =	shalt  }
0x6a: {  	_ =	shalt  }
0x6b: {  	_ =	shalt  }
0x6c: {  	_ =	shalt  }
0x6d: {  	_ =	shalt  }
0x6e: {  	_ =	shalt  }
0x6f: {  	_ =	shalt  }
0x70: {  	_ =	shalt  }
0x71: {  	_ =	shalt  }
0x72: {  	_ =	shalt  }
0x73: {  	_ =	shalt  }
0x74: {  	_ =	shalt  }
0x75: {  	_ =	shalt  }
0x76: {  	_ =	shalt  }
0x77: {  	_ =	shalt  }
0x78: {  	_ =	shalt  }
0x79: {  	_ =	shalt  }
0x7a: {  	_ =	shalt  }
0x7b: {  	_ =	shalt  }
0x7c: {  	_ =	shalt  }
0x7d: {  	_ =	shalt  }
0x7e: {  	_ =	shalt  }
0x7f: {  	_ =	shalt  }
0x80: {  	_ =	shalt  }
0x81: {  	_ =	shalt  }
0x82: {  	_ =	shalt  }
0x83: {  	_ =	shalt  }
0x84: {  	_ =	shalt  }
0x85: {  	_ =	shalt  }
0x86: {  	_ =	shalt  }
0x87: {  	_ =	shalt  }
.Lfunc_end0:
.L_simem_size_0:
called_computation_lowered:
.L_overlay_start_0:
0x88: {  	s2 =	sld [smem:$0x3FD9]  }
0x89: {  	s3 =	sld [smem:$0x3FFE];
	_ =	sdelay $0x1  }
0x8a: {  	s1 =	srdreg.scid  }
0x8b: {  	s0 =	sand.u32 $0x1, s1  }
0x8c: {  	s17 =	sshll.u32 s0, $0xA;
	s2 =	sadd.s32 s3, s2  }
0x8d: {  	s2 =	sadd.s32 s2, s17  }
0x8e: {  	[smem:$0x3FC5] =	sst s2  }
0x8f: {  	_ = 	snop  }
0x90: {  	s2 =	sld [smem:$0x3FD0];
	(tm) =	ssettm $0x1  }
0x91: {  	s18 =	sld [smem:$0x3FFB];
	_ =	sdelay $0x3  }
0x92: {  	_ =	strace s18  }
0x93: {  	s3 =	sld [smem:$0x3FFC];
	_ =	sdelay $0x3  }
0x94: {  	_ =	strace s3  }
0x95: {  	s3 =	sld [smem:$0x3FFD];
	_ =	sdelay $0x3  }
0x96: {  	_ =	strace s3  }
0x97: {  	_ =	strace $0x8FFFFFFF  }
0x98: {  	s19 =	sld [smem:$0x3FDB];
	_ =	sdelay $0x1  }
0x99: {  	s4 =	simm.s32 $_scs_section_size  }
0x9a: {  	s5 =	simm.s32 $_size__tile_overlayer_lowered;
	s6 =	simm.s32 $_tile_overlayer_lowered  }
0x9b: {  	s22 =	simm.s32 $0x1BFF;
	s21 =	sshll.u32 s6, $0x1;
	s3 =	sadd.s32 s4, s19  }
0x9c: {  	s7 =	simm.s32 $0x0;
	s20 =	sshll.u32 s5, $0x1;
	s5 =	sadd.s32 s21, s3  }
0x9d: {  	[timem:s7], [sflag:s22] =	dma.local [hbm:s5], s20  }
0x9e: {  	_ =	swait.ge [sflag:s22], s20  }
0x9f: {  	s4 =	ssub.s32 $0x0, s20;
	[sflag:s22] =	ssyncset.done $0x0  }
0xa0: {  	[sflag:s22] =	ssyncadd.s32 s4;
	_ =	sdelay $0x1  }
0xa1: {  	s23 =	simm.s32 $0x1B8B  }
0xa2: {  	_ =	swait.ge [sflag:s23], $0x1  }
0xa3: {  	[sflag:s23] =	ssyncset.done $0x0  }
0xa4: {  	s25 =	simm.s32 $0x1B8E;
	s24 =	sld [smem:$0x3FFE];
	[sflag:s23] =	ssyncadd.s32 $0xFFFFFFFF  }
0xa5: {  	s26 =	simm.s32 $execute0_lowered;
	[smem:$0x3FD2] =	sst s25  }
0xa6: {  	s5 =	sshll.u32 s26, $0x1;
	_ =	strace $0x80000046;
	[dreg:$0x1] =	wrdreg $0xFFFFFFFF  }
0xa7: {  	s28 =	simm.s32 $_size_execute0_lowered;
	s3 =	sadd.s32 s3, s5;
	[dreg:$0x0] =	wrdreg $0x0  }
0xa8: {  	s5 =	sshll.u32 s28, $0x1;
	[dreg:$0x2] =	wrdreg s3  }
0xa9: {  	[dreg:$0x3] =	wrdreg s5  }
0xaa: {  	[dreg:$0x4] =	wrdreg $0xC0  }
0xab: {  	_ =	task [dreg:s7], $0x5FFFF  }
0xac: {  	[dreg:$0x1] =	wrdreg $0xFFFFFFFF  }
0xad: {  	[dreg:$0x0] =	wrdreg $0x60  }
0xae: {  	[dreg:$0x2] =	wrdreg s24  }
0xaf: {  	[dreg:$0x3] =	wrdreg s2  }
0xb0: {  	[dreg:$0x4] =	wrdreg $0x9  }
0xb1: {  	_ =	task.clear_ibuf [dreg:s7], $0x5FFFF;
	_ =	strace $0x90000046  }
0xb2: {  	s29 =	simm.s32 $0x9;
	_ =	strace $0x80000048  }
0xb3: {  	_ =	swait.ge [sflag:s29], $0x1  }
0xb4: {  	[sflag:s29] =	ssyncadd.s32 $0xFFFFFFFF  }
0xb5: {  	_ =	strace $0x90000048  }
0xb6: {  	_ =	sfence  }
0xb7: {  	s30 =	sld [smem:$0x0];
	_ =	sdelay $0x2  }
0xb8: {  	s31 =	sshll.u32 s1, $0xD;
	s1 =	sshrl.u32 s1, $0x2  }
0xb9: {  	s3 =	sand.u32 $0x4000, s31;
	s1 =	sadd.s32 s1, s30  }
0xba: {  	s0 =	sor.u32 s3, s0;
	s1 =	sshll.u32 s1, $0x11  }
0xbb: {  	s0 =	sor.u32 s1, s0  }
0xbc: {  	s0 =	sadd.s32 $0x8F2B, s0  }
0xbd: {  	[sflag:s0] =	ssyncadd.remote.s32 $0x1  }
0xbe: {  	_ =	sfence.sel $0xFFFF  }
0xbf: {  	[dreg:$0x0] =	wrdreg $0xFFFFFFFF;
	(pc) =	sbr.abs _section_cstart, $3  }
0xc0: {  	[dreg:$0x1] =	wrdreg $0xFFFFFFFF  }
0xc1: {  	_ =	task.clear_ibuf [dreg:s7], $0x2FFFF;
	_ =	strace $0x9FFFFFFF  }
0xc2: {  	(tm) =	ssettm $0x7FFFFFFF  }
0xc3: {  	_ =	shalt  }
tec
execute0_lowered:
.L_overlay_start_1:
0x0: {  	(tag) =	ssettag $0x1  }
0x1: {  	s0 =	rddreg [dreg:$0x0]  }
0x2: {  	s2 =	rddreg [dreg:$0x1]  }
0x3: {  	s1 =	srdreg.scid;
	s4 =	stileid.u32  }
0x4: {  	s3 =	simm.s32 $0x0;
	s24 =	simm.s32 $0x1AC00;
	s25 =	simm.s32 $0x5  }
0x5: {  	s26 =	simm.s32 $0x6;
	s28 =	simm.s32 $0x0;
	s1 =	sand.u32 $0x1, s1  }
0x6: {  	s4 =	sshll.u32 s4, $0x1;
	[smem:$0x7FF] =	sst s3;
	s8 =	sadd.s32 $0x1000, s2  }
0x7: {  	s9 =	sadd.s32 $0x2000, s2;
	s10 =	sadd.s32 $0x3000, s2;
	s11 =	sadd.s32 $0x4000, s2  }
0x8: {  	s12 =	sadd.s32 $0x5000, s2;
	s5 =	sor.u32 s1, s4;
	s1 =	ssub.s32 $0x2, s1  }
0x9: {  	_ =	strace $0x80000047;
	s4 =	sshll.u32 s5, $0x4;
	s7 =	sshrl.u32 s1, $0x1  }
0xa: {  	v0 =	vlaneseq.u32;
	s6 =	sadd.s32 s4, s0;
	s4 =	sadd.s32 $0x1B000, s0;
	s0 =	sadd.s32 $0x600, s0  }
0xb: {  	v0 =	vmul.u32 $0x88, v0;
	s30 =	ssub.s32 s1, s7;
	[dreg:$0x3] =	wrdreg s0;
	s31 =	sadd.s32 $0x2000, s6  }
0xc: {  	s13 =	sadd.s32 $0x6000, s2;
	s0 =	smax.u32 s30, $0x1;
	[dreg:$0x4] =	wrdreg s31  }
0xd: {  	s14 =	sadd.s32 $0x7000, s2;
	v1 =	vadd.s32 $0x880, v0;
	v2 =	vadd.s32 $0x1100, v0;
	v3 =	vadd.s32 $0x1980, v0;
	s7 =	sshll.u32 s5, $0x7;
	[dreg:$0x5] =	wrdreg s0  }
.LBB2_1:
0xe: {  	s0 =	rddreg [dreg:$0x4]  }
0xf: {  	s1 =	simm.s32 $0x80;
	s5 =	simm.s32 $0x1000;
	s19 =	simm.s32 $0x7  }
0x10: {  	[tilespmem:s3], [sflag:$0x7] =	stream.strided.gather [hbm4b:s0+s1], $0x6400, s5, s1, $0x38;
	[tilespmem:$0x1F000] =	vst v63  }
0x11: {  	_ =	swait.ge [sflag:s19], $0x6400  }
0x12: {  	[sflag:s19] =	ssyncset.done $0x0  }
0x13: {  	s6 =	simm.s32 $0x6400;
	s20 =	rddreg [dreg:$0x3];
	[sflag:s19] =	ssyncadd.s32 $0xFFFF9C00  }
0x14: {  	[tilespmem:s6], [sflag:$0x7] =	stream.linear.gather [hbm4b:s20+s3], $0xC800, $0x38;
	[tilespmem:$0x1F000] =	vst v63  }
0x15: {  	_ =	swait.ge [sflag:s19], $0xC800  }
0x16: {  	[sflag:s19] =	ssyncset.done $0x0  }
0x17: {  	s21 =	simm.s32 $0x12C00;
	[sflag:s19] =	ssyncadd.s32 $0xFFFF3800  }
0x18: {  	[tilespmem:s21], [sflag:$0x1] =	stream.indirect.gather [hbm4b:s4+s1], $0x40, s3, s1, $0xb8;
	[tilespmem:$0x1F000] =	vst v63  }
0x19: {  	s22 =	simm.s32 $0x14C00;
	s23 =	simm.s32 $0x100  }
0x1a: {  	[tilespmem:s22], [sflag:$0x2] =	stream.indirect.gather [hbm4b:s4+s1], $0x40, s1, s1, $0xb8;
	[tilespmem:$0x1F000] =	vst v63  }
0x1b: {  	s31 =	simm.s32 $0x16C00;
	s29 =	simm.s32 $0x0;
	s30 =	simm.s32 $0x0  }
0x1c: {  	[tilespmem:s31], [sflag:$0x3] =	stream.indirect.gather [hbm4b:s4+s1], $0x40, s23, s1, $0xb8;
	[tilespmem:$0x1F000] =	vst v63  }
.LBB2_2:
0x1d: {  	s0 =	sand.u32 $0x3, s30  }
0x1e: {  	s0 =	sadd.s32 $0x1, s0  }
0x1f: {  	_ =	swait.ge [sflag:s0], $0x2000  }
0x20: {  	s31 =	sand.u32 $0x1, s30;
	p0 =	slt.u32 s30, $0x2;
	[sflag:s0] =	ssyncset.done $0x0  }
0x21: {  	[sflag:s0] =	ssyncadd.s32 $0xFFFFE000;
	s0 =	sadd.s32 @!p0 $0x5, s31  }
0x22: {  	_ =	swait.ge @!p0 [sflag:s0], $0x400  }
0x23: {  	[sflag:s0] =	ssyncset.done @!p0 $0x0  }
0x24: {  	[sflag:s0] =	ssyncadd.s32 @!p0 $0xFFFFFC00  }
0x25: {  	_ =	swait.ge @!p0 [sflag:s0], $0x400  }
0x26: {  	[sflag:s0] =	ssyncset.done @!p0 $0x0  }
0x27: {  	[sflag:s0] =	ssyncadd.s32 @!p0 $0xFFFFFC00  }
0x28: {  	_ =	swait.ge @!p0 [sflag:s0], $0x400  }
0x29: {  	[sflag:s0] =	ssyncset.done @!p0 $0x0  }
0x2a: {  	[sflag:s0] =	ssyncadd.s32 @!p0 $0xFFFFFC00  }
0x2b: {  	_ =	swait.ge @!p0 [sflag:s0], $0x400  }
0x2c: {  	[sflag:s0] =	ssyncset.done @!p0 $0x0  }
0x2d: {  	[sflag:s0] =	ssyncadd.s32 @!p0 $0xFFFFFC00  }
0x2e: {  	_ =	swait.ge @!p0 [sflag:s0], $0x400  }
0x2f: {  	[sflag:s0] =	ssyncset.done @!p0 $0x0  }
0x30: {  	[sflag:s0] =	ssyncadd.s32 @!p0 $0xFFFFFC00  }
0x31: {  	_ =	swait.ge @!p0 [sflag:s0], $0x400  }
0x32: {  	[sflag:s0] =	ssyncset.done @!p0 $0x0  }
0x33: {  	[sflag:s0] =	ssyncadd.s32 @!p0 $0xFFFFFC00  }
0x34: {  	_ =	swait.ge @!p0 [sflag:s0], $0x400  }
0x35: {  	[sflag:s0] =	ssyncset.done @!p0 $0x0  }
0x36: {  	[sflag:s0] =	ssyncadd.s32 @!p0 $0xFFFFFC00  }
0x37: {  	_ =	swait.ge @!p0 [sflag:s0], $0x400  }
0x38: {  	s1 =	sshll.u32 s30, $0x6;
	[sflag:s0] =	ssyncset.done @!p0 $0x0  }
0x39: {  	s1 =	sand.u32 $0x3FFFFFC0, s1;
	[sflag:s0] =	ssyncadd.s32 @!p0 $0xFFFFFC00  }
0x3a: {  	v25 =	vld [tilespmem:s1+$0x6400]  }
0x3b: {  	v24 =	vld [tilespmem:s1+$0x6410]  }
0x3c: {  	v23 =	vld [tilespmem:s1+$0x6420]  }
0x3d: {  	v22 =	vld [tilespmem:s1+$0x6430]  }
0x3e: {  	v4 =	vmov s31;
	v20 =	vld [tilespmem:s1+$0x9600]  }
0x3f: {  	v4 =	vmul.u32 $0x2200, v4;
	v18 =	vld [tilespmem:s1+$0x9610]  }
0x40: {  	s5 =	sand.u32 $0x3, s29;
	v17 =	vld [tilespmem:s1+$0x9620]  }
0x41: {  	v6 =	vbroadcast v4, $0x0;
	s0 =	sshll.u32 s5, $0xD;
	s5 =	simm.s32 $0x0;
	v16 =	vld [tilespmem:s1+$0x9630]  }
0x42: {  	v15 =	vld [tilespmem:s1+$0xC800];
	s0 =	sadd.s32 $0x12C80, s0;
	v4 =	vmov s5  }
0x43: {  	v11 =	vadd.s32 v0, v6;
	v19 =	vand.u32 $0x78, v4;
	v7 =	vld [tilespmem:s0+$0xFFFFFF80]  }
0x44: {  	v14 =	vld [tilespmem:s1+$0xC810];
	v21 =	vand.u32 $0x4, v4;
	v5 =	vadd.s32 v11, v19  }
0x45: {  	v13 =	vld [tilespmem:s1+$0xC820];
	v9 =	vor.u32 v21, v5  }
0x46: {  	v12 =	vld [tilespmem:s1+$0xC830]  }
0x47: {  	v10 =	vld [tilespmem:s1+$0xFA00]  }
0x48: {  	v8 =	vld [tilespmem:s1+$0xFA10];
	v7 =	vadd.f32 v7, v25  }
0x49: {  	v4 =	vld [tilespmem:s1+$0xFA30]  }
0x4a: {  	v5 =	vld [tilespmem:s1+$0xFA20];
	[tilespmem:v9+s24+$0x0] =	vst.idx.msk $0xffff, v7  }
0x4b: {  	v9 =	vadd.s32 v1, v6;
	v7 =	vld [tilespmem:s0+$0xFFFFFF90]  }
0x4c: {  	v26 =	vadd.s32 v9, v19  }
0x4d: {  	v26 =	vor.u32 v21, v26;
	_ =	sdelay $0x2  }
0x4e: {  	v7 =	vadd.f32 v7, v24;
	_ =	sdelay $0x1  }
0x4f: {  	[tilespmem:v26+s24+$0x0] =	vst.idx.msk $0xffff, v7  }
0x50: {  	v7 =	vadd.s32 v2, v6;
	v26 =	vld [tilespmem:s0+$0xFFFFFFA0]  }
0x51: {  	v27 =	vadd.s32 v7, v19  }
0x52: {  	v27 =	vor.u32 v21, v27;
	_ =	sdelay $0x1  }
0x53: {  	s20 =	simm.s32 $0x4  }
0x54: {  	v28 =	vmov s20;
	s1 =	sadd.s32 $0x100, s0;
	v26 =	vadd.f32 v26, v23  }
0x55: {  	v29 =	vand.u32 $0x78, v28;
	v30 =	vld [tilespmem:s1+$0xFFFFFF80]  }
0x56: {  	v28 =	vand.u32 $0x4, v28;
	v31 =	vadd.s32 v11, v29;
	[tilespmem:v27+s24+$0x0] =	vst.idx.msk $0xffff, v26  }
0x57: {  	v6 =	vadd.s32 v3, v6;
	v26 =	vor.u32 v28, v31;
	v27 =	vld [tilespmem:s0+$0xFFFFFFB0]  }
0x58: {  	v19 =	vadd.s32 v6, v19  }
0x59: {  	v19 =	vor.u32 v21, v19  }
0x5a: {  	v21 =	vadd.f32 v30, v25;
	_ =	sdelay $0x1  }
0x5b: {  	[tilespmem:v26+s24+$0x0] =	vst.idx.msk $0xffff, v21;
	v21 =	vadd.f32 v27, v22  }
0x5c: {  	s6 =	simm.s32 $0x1;
	v26 =	vld [tilespmem:s1+$0xFFFFFF90]  }
0x5d: {  	v30 =	vmov s6;
	v27 =	vadd.s32 v9, v29;
	[tilespmem:v19+s24+$0x0] =	vst.idx.msk $0xffff, v21  }
0x5e: {  	v19 =	vor.u32 v28, v27;
	v27 =	vand.u32 $0x78, v30;
	v21 =	vld [tilespmem:s0+$0xFFFFFFC0]  }
0x5f: {  	v30 =	vand.u32 $0x5, v30;
	v31 =	vadd.s32 v11, v27  }
0x60: {  	v31 =	vor.u32 v30, v31  }
0x61: {  	v26 =	vadd.f32 v26, v24;
	_ =	sdelay $0x1  }
0x62: {  	[tilespmem:v19+s24+$0x0] =	vst.idx.msk $0xffff, v26;
	v19 =	vadd.f32 v21, v20  }
0x63: {  	v21 =	vld [tilespmem:s1+$0xFFFFFFA0]  }
0x64: {  	v26 =	vadd.s32 v7, v29;
	[tilespmem:v31+s24+$0x0] =	vst.idx.msk $0xffff, v19  }
0x65: {  	v19 =	vor.u32 v28, v26;
	v26 =	vld [tilespmem:s0+$0xFFFFFFD0]  }
0x66: {  	v31 =	vadd.s32 v9, v27  }
0x67: {  	s21 =	simm.s32 $0x8;
	v31 =	vor.u32 v30, v31  }
0x68: {  	v32 =	vmov s21;
	s17 =	sadd.s32 $0x100, s1;
	v21 =	vadd.f32 v21, v23  }
0x69: {  	v33 =	vand.u32 $0x78, v32;
	v34 =	vld [tilespmem:s17+$0xFFFFFF80]  }
0x6a: {  	v32 =	vand.u32 $0x4, v32;
	v35 =	vadd.s32 v11, v33;
	[tilespmem:v19+s24+$0x0] =	vst.idx.msk $0xffff, v21;
	v19 =	vadd.f32 v26, v18  }
0x6b: {  	v21 =	vor.u32 v32, v35;
	v26 =	vld [tilespmem:s1+$0xFFFFFFB0]  }
0x6c: {  	v29 =	vadd.s32 v6, v29;
	[tilespmem:v31+s24+$0x0] =	vst.idx.msk $0xffff, v19  }
0x6d: {  	v19 =	vor.u32 v28, v29;
	v28 =	vld [tilespmem:s0+$0xFFFFFFE0]  }
0x6e: {  	v29 =	vadd.f32 v34, v25;
	v31 =	vadd.s32 v7, v27  }
0x6f: {  	v31 =	vor.u32 v30, v31  }
0x70: {  	[tilespmem:v21+s24+$0x0] =	vst.idx.msk $0xffff, v29;
	v21 =	vadd.f32 v26, v22  }
0x71: {  	s15 =	simm.s32 $0x5;
	v26 =	vld [tilespmem:s17+$0xFFFFFF90]  }
0x72: {  	v42 =	vmov s15;
	v29 =	vadd.s32 v9, v33;
	[tilespmem:v19+s24+$0x0] =	vst.idx.msk $0xffff, v21;
	v19 =	vadd.f32 v28, v17  }
0x73: {  	v21 =	vor.u32 v32, v29;
	v29 =	vand.u32 $0x78, v42;
	v28 =	vld [tilespmem:s1+$0xFFFFFFC0]  }
0x74: {  	v34 =	vand.u32 $0x5, v42;
	v43 =	vadd.s32 v11, v29;
	[tilespmem:v31+s24+$0x0] =	vst.idx.msk $0xffff, v19  }
0x75: {  	v19 =	vor.u32 v34, v43;
	v31 =	vld [tilespmem:s0+$0xFFFFFFF0]  }
0x76: {  	v27 =	vadd.s32 v6, v27;
	v26 =	vadd.f32 v26, v24  }
0x77: {  	v27 =	vor.u32 v30, v27  }
0x78: {  	[tilespmem:v21+s24+$0x0] =	vst.idx.msk $0xffff, v26;
	v21 =	vadd.f32 v28, v20  }
0x79: {  	v26 =	vld [tilespmem:s17+$0xFFFFFFA0]  }
0x7a: {  	v28 =	vadd.s32 v7, v33;
	[tilespmem:v19+s24+$0x0] =	vst.idx.msk $0xffff, v21;
	v19 =	vadd.f32 v31, v16  }
0x7b: {  	s23 =	simm.s32 $0xC;
	s16 =	simm.s32 $0x2;
	v21 =	vor.u32 v32, v28;
	v28 =	vld [tilespmem:s1+$0xFFFFFFD0]  }
0x7c: {  	v30 =	vmov s23;
	v44 =	vadd.s32 v9, v29;
	v31 =	vmov s16;
	[tilespmem:v27+s24+$0x0] =	vst.idx.msk $0xffff, v19  }
0x7d: {  	s19 =	sadd.s32 $0x100, s17;
	v36 =	vand.u32 $0x78, v31;
	v31 =	vand.u32 $0x6, v31;
	v27 =	vor.u32 v34, v44;
	v45 =	vld [tilespmem:s0+$0x0]  }
0x7e: {  	v37 =	vld [tilespmem:s19+$0xFFFFFF80];
	v19 =	vand.u32 $0x78, v30;
	v26 =	vadd.f32 v26, v23;
	v38 =	vadd.s32 v11, v36  }
0x7f: {  	v30 =	vand.u32 $0x4, v30;
	v39 =	vadd.s32 v11, v19;
	v38 =	vor.u32 v31, v38  }
0x80: {  	[tilespmem:v21+s24+$0x0] =	vst.idx.msk $0xffff, v26;
	v21 =	vor.u32 v30, v39;
	v26 =	vadd.f32 v28, v18  }
0x81: {  	v28 =	vld [tilespmem:s17+$0xFFFFFFB0]  }
0x82: {  	v33 =	vadd.s32 v6, v33;
	[tilespmem:v27+s24+$0x0] =	vst.idx.msk $0xffff, v26;
	v26 =	vadd.f32 v45, v15  }
0x83: {  	v46 =	vadd.f32 v37, v25;
	v27 =	vor.u32 v32, v33;
	v47 =	vld [tilespmem:s1+$0xFFFFFFE0]  }
0x84: {  	v48 =	vadd.s32 v7, v29;
	[tilespmem:v38+s24+$0x0] =	vst.idx.msk $0xffff, v26  }
0x85: {  	[tilespmem:v21+s24+$0x0] =	vst.idx.msk $0xffff, v46;
	v21 =	vor.u32 v34, v48;
	v26 =	vld [tilespmem:s0+$0x10]  }
0x86: {  	v49 =	vadd.s32 v9, v36;
	v28 =	vadd.f32 v28, v22;
	v32 =	vld [tilespmem:s19+$0xFFFFFF90]  }
0x87: {  	s18 =	simm.s32 $0x9;
	v50 =	vadd.s32 v9, v19;
	v35 =	vor.u32 v31, v49  }
0x88: {  	v51 =	vmov s18;
	[tilespmem:v27+s24+$0x0] =	vst.idx.msk $0xffff, v28;
	v27 =	vor.u32 v30, v50;
	v28 =	vadd.f32 v47, v17  }
0x89: {  	v37 =	vand.u32 $0x78, v51;
	v52 =	vld [tilespmem:s17+$0xFFFFFFC0]  }
0x8a: {  	v53 =	vadd.s32 v11, v37;
	v38 =	vand.u32 $0x5, v51;
	[tilespmem:v21+s24+$0x0] =	vst.idx.msk $0xffff, v28;
	v21 =	vadd.f32 v26, v14  }
0x8b: {  	v28 =	vadd.f32 v32, v24;
	v26 =	vor.u32 v38, v53;
	v54 =	vld [tilespmem:s1+$0xFFFFFFF0]  }
0x8c: {  	v29 =	vadd.s32 v6, v29;
	[tilespmem:v35+s24+$0x0] =	vst.idx.msk $0xffff, v21  }
0x8d: {  	[tilespmem:v27+s24+$0x0] =	vst.idx.msk $0xffff, v28;
	v21 =	vor.u32 v34, v29;
	v27 =	vld [tilespmem:s0+$0x20]  }
0x8e: {  	v55 =	vadd.s32 v7, v36;
	v28 =	vadd.f32 v52, v20;
	v29 =	vld [tilespmem:s19+$0xFFFFFFA0]  }
0x8f: {  	v56 =	vadd.s32 v7, v19;
	v33 =	vor.u32 v31, v55  }
0x90: {  	s22 =	simm.s32 $0x6;
	[tilespmem:v26+s24+$0x0] =	vst.idx.msk $0xffff, v28;
	v28 =	vor.u32 v30, v56;
	v26 =	vadd.f32 v54, v16  }
0x91: {  	v59 =	vmov s22;
	s6 =	simm.s32 $0x10;
	v58 =	vld [tilespmem:s17+$0xFFFFFFD0]  }
0x92: {  	v60 =	vadd.s32 v9, v37;
	v57 =	vmov s6;
	[tilespmem:v21+s24+$0x0] =	vst.idx.msk $0xffff, v26;
	v21 =	vadd.f32 v27, v13  }
0x93: {  	s22 =	sadd.s32 $0x100, s19;
	v40 =	vor.u32 v38, v60;
	v26 =	vand.u32 $0x78, v59;
	v29 =	vadd.f32 v29, v23;
	v41 =	vld [tilespmem:s1+$0x0]  }
0x94: {  	v42 =	vld [tilespmem:s22+$0xFFFFFF80];
	v32 =	vand.u32 $0x78, v57;
	v27 =	vand.u32 $0x6, v59;
	v61 =	vadd.s32 v11, v26;
	[tilespmem:v33+s24+$0x0] =	vst.idx.msk $0xffff, v21  }
0x95: {  	v21 =	vadd.s32 v11, v32;
	v33 =	vand.u32 $0x4, v57;
	[tilespmem:v28+s24+$0x0] =	vst.idx.msk $0xffff, v29;
	v28 =	vor.u32 v27, v61;
	v29 =	vld [tilespmem:s0+$0x30]  }
0x96: {  	v62 =	vadd.s32 v6, v36;
	v21 =	vor.u32 v33, v21;
	v35 =	vadd.f32 v58, v18  }
0x97: {  	v31 =	vor.u32 v31, v62;
	v63 =	vld [tilespmem:s19+$0xFFFFFFB0]  }
0x98: {  	v19 =	vadd.s32 v6, v19;
	[tilespmem:v40+s24+$0x0] =	vst.idx.msk $0xffff, v35;
	v44 =	vadd.f32 v41, v15  }
0x99: {  	v30 =	vor.u32 v30, v19;
	v19 =	vadd.f32 v42, v25;
	v35 =	vld [tilespmem:s17+$0xFFFFFFE0]  }
0x9a: {  	s16 =	simm.s32 $0xD;
	v45 =	vadd.s32 v7, v37;
	[tilespmem:v28+s24+$0x0] =	vst.idx.msk $0xffff, v44;
	v28 =	vadd.f32 v29, v12  }
0x9b: {  	s15 =	simm.s32 $0x3;
	v48 =	vmov s16;
	v39 =	vor.u32 v38, v45;
	v46 =	vadd.s32 v9, v32;
	[tilespmem:v21+s24+$0x0] =	vst.idx.msk $0xffff, v19;
	v47 =	vld [tilespmem:s1+$0x10]  }
0x9c: {  	v43 =	vadd.s32 v9, v26;
	v29 =	vmov s15;
	v36 =	vadd.f32 v63, v22;
	v49 =	vld [tilespmem:s22+$0xFFFFFF90];
	[tilespmem:v31+s24+$0x0] =	vst.idx.msk $0xffff, v28  }
0x9d: {  	v34 =	vor.u32 v33, v46;
	v21 =	vand.u32 $0x78, v29;
	v28 =	vor.u32 v27, v43;
	v31 =	vld [tilespmem:s0+$0x40]  }
0x9e: {  	v19 =	vand.u32 $0x7, v29;
	v29 =	vadd.s32 v11, v21;
	[tilespmem:v30+s24+$0x0] =	vst.idx.msk $0xffff, v36;
	v35 =	vadd.f32 v35, v17  }
0x9f: {  	v30 =	vand.u32 $0x78, v48;
	v50 =	vor.u32 v19, v29;
	v51 =	vld [tilespmem:s19+$0xFFFFFFC0]  }
0xa0: {  	v29 =	vand.u32 $0x5, v48;
	v52 =	vadd.s32 v11, v30;
	[tilespmem:v39+s24+$0x0] =	vst.idx.msk $0xffff, v35;
	v53 =	vadd.f32 v47, v14  }
0xa1: {  	v54 =	vor.u32 v29, v52;
	v55 =	vadd.f32 v49, v24;
	v56 =	vld [tilespmem:s17+$0xFFFFFFF0]  }
0xa2: {  	v37 =	vadd.s32 v6, v37;
	[tilespmem:v28+s24+$0x0] =	vst.idx.msk $0xffff, v53;
	v28 =	vadd.f32 v31, v10  }
0xa3: {  	v60 =	vadd.s32 v7, v26;
	[tilespmem:v34+s24+$0x0] =	vst.idx.msk $0xffff, v55;
	v31 =	vor.u32 v38, v37;
	v57 =	vld [tilespmem:s1+$0x20]  }
0xa4: {  	v58 =	vadd.s32 v7, v32;
	v59 =	vld [tilespmem:s22+$0xFFFFFFA0];
	[tilespmem:v50+s24+$0x0] =	vst.idx.msk $0xffff, v28;
	v28 =	vadd.f32 v51, v20  }
0xa5: {  	v46 =	vor.u32 v27, v60;
	v41 =	vor.u32 v33, v58;
	s15 =	simm.s32 $0x14;
	v47 =	vld [tilespmem:s0+$0x50]  }
0xa6: {  	v42 =	vmov s15;
	v61 =	vadd.s32 v9, v21;
	v62 =	vadd.f32 v56, v16;
	[tilespmem:v54+s24+$0x0] =	vst.idx.msk $0xffff, v28  }
0xa7: {  	s18 =	simm.s32 $0xA;
	v40 =	vand.u32 $0x78, v42;
	v63 =	vadd.s32 v9, v30;
	v28 =	vor.u32 v19, v61;
	v38 =	vld [tilespmem:s19+$0xFFFFFFD0]  }
0xa8: {  	v48 =	vmov s18;
	v45 =	vadd.s32 v11, v40;
	[tilespmem:v31+s24+$0x0] =	vst.idx.msk $0xffff, v62;
	v31 =	vadd.f32 v57, v13  }
0xa9: {  	s5 =	sadd.s32 $0x100, s22;
	v35 =	vand.u32 $0x78, v48;
	v39 =	vor.u32 v29, v63;
	v44 =	vadd.f32 v59, v23;
	v36 =	vld [tilespmem:s17+$0x0]  }
0xaa: {  	s16 =	simm.s32 $0x18;
	v43 =	vld [tilespmem:s5+$0xFFFFFF80];
	v34 =	vand.u32 $0x6, v48;
	v37 =	vadd.s32 v11, v35;
	[tilespmem:v46+s24+$0x0] =	vst.idx.msk $0xffff, v31;
	v31 =	vadd.f32 v47, v8  }
.LBB2_3:
0xab: {  	p0 =	sne.s32 s16, $0x7C;
	v42 =	vand.u32 $0x4, v42;
	[tilespmem:v41+s24+$0x0] =	vst.idx.msk $0xffff, v44;
	v37 =	vor.u32 v34, v37;
	v41 =	vld [tilespmem:s1+$0x30];
	v44 =	vadd.s32 v6, v26  }
0xac: {  	v26 =	vmov v35;
	v45 =	vor.u32 v42, v45;
	v46 =	vld [tilespmem:s22+$0xFFFFFFB0];
	v38 =	vadd.f32 v38, v18;
	[tilespmem:v28+s24+$0x0] =	vst.idx.msk $0xffff, v31  }
0xad: {  	s18 =	sadd.s32 $0x3, s20;
	s20 =	smov.u32 s21;
	s21 =	smov.u32 s23;
	v28 =	vadd.s32 v6, v32;
	v31 =	vor.u32 v27, v44;
	v44 =	vadd.s32 v7, v21;
	v32 =	vmovc v40;
	v35 =	vld [tilespmem:s0+$0x60]  }
0xae: {  	s23 =	smov.u32 s6;
	s6 =	smov.u32 s15;
	s15 =	smov.u32 s16;
	v28 =	vor.u32 v33, v28;
	v33 =	vmovc v42;
	[tilespmem:v39+s24+$0x0] =	vst.idx.msk $0xffff, v38;
	v36 =	vadd.f32 v36, v15;
	v38 =	vmov s18  }
0xaf: {  	v27 =	vmovc v34;
	v40 =	vadd.s32 v9, v32;
	s18 =	sadd.s32 $0x1, s23;
	v39 =	vadd.f32 v43, v25;
	v42 =	vld [tilespmem:s19+$0xFFFFFFE0];
	v43 =	vor.u32 v19, v44  }
0xb0: {  	v34 =	vmov s18;
	v44 =	vadd.s32 v7, v30;
	[tilespmem:v37+s24+$0x0] =	vst.idx.msk $0xffff, v36;
	v36 =	vadd.f32 v41, v12  }
0xb1: {  	[tilespmem:v45+s24+$0x0] =	vst.idx.msk $0xffff, v39;
	v37 =	vadd.f32 v46, v22;
	v39 =	vor.u32 v29, v44;
	v41 =	vld [tilespmem:s17+$0x10];
	v44 =	vand.u32 $0x7, v38  }
0xb2: {  	v46 =	vadd.s32 v9, v26;
	v45 =	vld [tilespmem:s5+$0xFFFFFF90];
	[tilespmem:v31+s24+$0x0] =	vst.idx.msk $0xffff, v36;
	v31 =	vand.u32 $0x78, v38;
	v35 =	vadd.f32 v35, v5  }
0xb3: {  	v36 =	vor.u32 v27, v46;
	[tilespmem:v28+s24+$0x0] =	vst.idx.msk $0xffff, v37;
	v28 =	vand.u32 $0x5, v34;
	v37 =	vld [tilespmem:s1+$0x40];
	v38 =	vadd.s32 v11, v31  }
0xb4: {  	v40 =	vor.u32 v33, v40;
	v34 =	vand.u32 $0x78, v34;
	v46 =	vld [tilespmem:s22+$0xFFFFFFC0];
	v42 =	vadd.f32 v42, v17;
	[tilespmem:v43+s24+$0x0] =	vst.idx.msk $0xffff, v35  }
0xb5: {  	v47 =	vadd.s32 v6, v21;
	v21 =	vmovc v31;
	v35 =	vadd.s32 v11, v34;
	v38 =	vor.u32 v44, v38;
	v43 =	vld [tilespmem:s0+$0x70];
	s0 =	smov.u32 s1;
	s1 =	smov.u32 s17;
	s17 =	smov.u32 s19  }
0xb6: {  	v31 =	vor.u32 v28, v35;
	s19 =	smov.u32 s22;
	s22 =	smov.u32 s5;
	[tilespmem:v39+s24+$0x0] =	vst.idx.msk $0xffff, v42;
	v35 =	vadd.f32 v41, v14  }
0xb7: {  	v47 =	vor.u32 v19, v47;
	v19 =	vmovc v44;
	v41 =	vadd.s32 v7, v32;
	v39 =	vadd.f32 v45, v24;
	v45 =	vld [tilespmem:s17+$0xFFFFFFF0]  }
0xb8: {  	v42 =	vadd.s32 v6, v30;
	v30 =	vmov v34;
	[tilespmem:v36+s24+$0x0] =	vst.idx.msk $0xffff, v35;
	v35 =	vadd.f32 v37, v10  }
0xb9: {  	v36 =	vor.u32 v29, v42;
	v29 =	vmov v28;
	[tilespmem:v40+s24+$0x0] =	vst.idx.msk $0xffff, v39;
	v34 =	vadd.f32 v46, v20;
	v37 =	vld [tilespmem:s1+$0x20]  }
0xba: {  	v28 =	vadd.s32 v7, v26;
	v39 =	vld [tilespmem:s5+$0xFFFFFFA0];
	[tilespmem:v38+s24+$0x0] =	vst.idx.msk $0xffff, v35;
	v35 =	vadd.f32 v43, v4  }
0xbb: {  	[tilespmem:v31+s24+$0x0] =	vst.idx.msk $0xffff, v34;
	v31 =	vor.u32 v27, v28;
	v46 =	vld [tilespmem:s0+$0x50];
	v28 =	vadd.s32 v9, v21  }
.Ltmp0:
0xbc: {  	s18 =	sadd.s32 $0x2, s21;
	v41 =	vor.u32 v33, v41;
	v42 =	vmov s16;
	v34 =	vadd.f32 v45, v16;
	[tilespmem:v47+s24+$0x0] =	vst.idx.msk $0xffff, v35;
	(pc) =	sbr.rel @p0 .LBB2_3-.Ltmp0, $4  }
0xbd: {  	v40 =	vand.u32 $0x78, v42;
	v47 =	vmov s18;
	v28 =	vor.u32 v19, v28;
	v38 =	vld [tilespmem:s19+$0xFFFFFFD0]  }
0xbe: {  	v43 =	vadd.s32 v9, v30;
	v35 =	vand.u32 $0x78, v47;
	[tilespmem:v36+s24+$0x0] =	vst.idx.msk $0xffff, v34;
	v48 =	vadd.f32 v37, v13  }
0xbf: {  	s5 =	sadd.s32 $0x100, s5;
	v45 =	vadd.s32 v11, v40;
	v44 =	vadd.f32 v39, v23;
	v39 =	vor.u32 v29, v43;
	v36 =	vld [tilespmem:s17+$0x0]  }
0xc0: {  	s16 =	sadd.s32 $0x4, s16;
	v34 =	vand.u32 $0x6, v47;
	v37 =	vadd.s32 v11, v35;
	v43 =	vld [tilespmem:s5+$0xFFFFFF80];
	[tilespmem:v31+s24+$0x0] =	vst.idx.msk $0xffff, v48;
	v31 =	vadd.f32 v46, v8  }
0xc1: {  	v42 =	vand.u32 $0x4, v42  }
0xc2: {  	v45 =	vor.u32 v42, v45;
	_ =	sdelay $0x2  }
0xc3: {  	v25 =	vadd.f32 v43, v25;
	_ =	sdelay $0x1  }
0xc4: {  	[tilespmem:v45+s24+$0x0] =	vst.idx.msk $0xffff, v25  }
0xc5: {  	v25 =	vld [tilespmem:s5+$0xFFFFFF90]  }
0xc6: {  	v50 =	vadd.s32 v9, v40  }
0xc7: {  	v43 =	vor.u32 v42, v50;
	_ =	sdelay $0x2  }
0xc8: {  	v24 =	vadd.f32 v25, v24;
	_ =	sdelay $0x1  }
0xc9: {  	[tilespmem:v43+s24+$0x0] =	vst.idx.msk $0xffff, v24  }
0xca: {  	v24 =	vld [tilespmem:s5+$0xFFFFFFA0]  }
0xcb: {  	v51 =	vadd.s32 v7, v40  }
0xcc: {  	v25 =	vor.u32 v42, v51;
	_ =	sdelay $0x2  }
0xcd: {  	v23 =	vadd.f32 v24, v23  }
0xce: {  	[tilespmem:v41+s24+$0x0] =	vst.idx.msk $0xffff, v44  }
0xcf: {  	v52 =	vld [tilespmem:s22+$0xFFFFFFB0];
	[tilespmem:v25+s24+$0x0] =	vst.idx.msk $0xffff, v23  }
0xd0: {  	v53 =	vadd.s32 v6, v32;
	v25 =	vld [tilespmem:s5+$0xFFFFFFB0]  }
0xd1: {  	v54 =	vadd.s32 v6, v40;
	v23 =	vor.u32 v33, v53  }
0xd2: {  	v32 =	vor.u32 v42, v54;
	_ =	sdelay $0x1  }
0xd3: {  	v24 =	vadd.f32 v52, v22  }
0xd4: {  	s16 =	sadd.s32 $0x1, s6;
	v55 =	vadd.f32 v25, v22  }
0xd5: {  	s18 =	sadd.s32 $0x1, s15;
	v56 =	vmov s16;
	[tilespmem:v23+s24+$0x0] =	vst.idx.msk $0xffff, v24  }
0xd6: {  	v58 =	vmov s18;
	v57 =	vand.u32 $0x78, v56;
	v23 =	vld [tilespmem:s22+$0xFFFFFFC0];
	[tilespmem:v32+s24+$0x0] =	vst.idx.msk $0xffff, v55  }
0xd7: {  	v59 =	vand.u32 $0x5, v56;
	v61 =	vand.u32 $0x78, v58;
	v60 =	vadd.s32 v11, v57;
	v32 =	vld [tilespmem:s5+$0xFFFFFFC0]  }
0xd8: {  	v62 =	vadd.s32 v11, v61;
	v33 =	vand.u32 $0x5, v58;
	v25 =	vor.u32 v59, v60  }
0xd9: {  	v41 =	vor.u32 v33, v62;
	_ =	sdelay $0x1  }
0xda: {  	v23 =	vadd.f32 v23, v20  }
0xdb: {  	v63 =	vadd.f32 v32, v20  }
0xdc: {  	[tilespmem:v25+s24+$0x0] =	vst.idx.msk $0xffff, v23  }
0xdd: {  	v23 =	vld [tilespmem:s22+$0xFFFFFFD0];
	[tilespmem:v41+s24+$0x0] =	vst.idx.msk $0xffff, v63  }
0xde: {  	v32 =	vadd.s32 v9, v57;
	v41 =	vld [tilespmem:s5+$0xFFFFFFD0]  }
0xdf: {  	v42 =	vadd.s32 v9, v61;
	v20 =	vor.u32 v59, v32  }
0xe0: {  	v32 =	vor.u32 v33, v42  }
0xe1: {  	v38 =	vadd.f32 v38, v18  }
0xe2: {  	v23 =	vadd.f32 v23, v18  }
0xe3: {  	[tilespmem:v39+s24+$0x0] =	vst.idx.msk $0xffff, v38;
	v43 =	vadd.f32 v41, v18  }
0xe4: {  	v44 =	vld [tilespmem:s19+$0xFFFFFFE0];
	[tilespmem:v20+s24+$0x0] =	vst.idx.msk $0xffff, v23  }
0xe5: {  	v45 =	vadd.s32 v7, v30;
	v23 =	vld [tilespmem:s22+$0xFFFFFFE0];
	[tilespmem:v32+s24+$0x0] =	vst.idx.msk $0xffff, v43  }
0xe6: {  	v47 =	vadd.s32 v7, v57;
	v46 =	vor.u32 v29, v45;
	v32 =	vld [tilespmem:s5+$0xFFFFFFE0]  }
0xe7: {  	v48 =	vadd.s32 v7, v61;
	v20 =	vor.u32 v59, v47  }
0xe8: {  	v38 =	vor.u32 v33, v48  }
0xe9: {  	v25 =	vadd.f32 v44, v17  }
0xea: {  	v23 =	vadd.f32 v23, v17  }
0xeb: {  	[tilespmem:v46+s24+$0x0] =	vst.idx.msk $0xffff, v25;
	v49 =	vadd.f32 v32, v17  }
0xec: {  	v18 =	vld [tilespmem:s19+$0xFFFFFFF0];
	[tilespmem:v20+s24+$0x0] =	vst.idx.msk $0xffff, v23  }
0xed: {  	v50 =	vadd.s32 v6, v30;
	v23 =	vld [tilespmem:s22+$0xFFFFFFF0];
	[tilespmem:v38+s24+$0x0] =	vst.idx.msk $0xffff, v49  }
0xee: {  	v51 =	vor.u32 v29, v50;
	v52 =	vadd.s32 v6, v57;
	v53 =	vld [tilespmem:s5+$0xFFFFFFF0]  }
0xef: {  	v54 =	vadd.s32 v6, v61;
	v20 =	vor.u32 v59, v52  }
0xf0: {  	v22 =	vor.u32 v33, v54  }
0xf1: {  	s18 =	sadd.s32 $0x2, s23;
	v18 =	vadd.f32 v18, v16  }
0xf2: {  	v36 =	vadd.f32 v36, v15;
	v55 =	vmov s18;
	s18 =	sadd.s32 $0x2, s6;
	v23 =	vadd.f32 v23, v16  }
0xf3: {  	v61 =	vor.u32 v34, v37;
	v56 =	vmov s18;
	s18 =	sadd.s32 $0x2, s15;
	[tilespmem:v51+s24+$0x0] =	vst.idx.msk $0xffff, v18;
	v57 =	vadd.f32 v53, v16  }
0xf4: {  	v58 =	vmov s18;
	v30 =	vand.u32 $0x78, v56;
	v17 =	vand.u32 $0x78, v55;
	v59 =	vld [tilespmem:s19+$0x0];
	[tilespmem:v20+s24+$0x0] =	vst.idx.msk $0xffff, v23  }
0xf5: {  	v39 =	vadd.s32 v11, v30;
	v25 =	vand.u32 $0x6, v55;
	v60 =	vadd.s32 v11, v17;
	v63 =	vld [tilespmem:s22+$0x0];
	[tilespmem:v22+s24+$0x0] =	vst.idx.msk $0xffff, v57  }
0xf6: {  	v62 =	vor.u32 v25, v60;
	v16 =	vand.u32 $0x6, v56;
	v22 =	vand.u32 $0x78, v58;
	v40 =	vld [tilespmem:s5+$0x0]  }
0xf7: {  	v24 =	vand.u32 $0x6, v58;
	v18 =	vor.u32 v16, v39;
	v41 =	vadd.s32 v11, v22  }
0xf8: {  	v37 =	vor.u32 v24, v41  }
0xf9: {  	[tilespmem:v61+s24+$0x0] =	vst.idx.msk $0xffff, v36;
	v29 =	vadd.f32 v59, v15  }
0xfa: {  	v43 =	vld [tilespmem:s17+$0x10];
	v42 =	vadd.f32 v63, v15  }
0xfb: {  	v45 =	vadd.s32 v9, v35;
	[tilespmem:v62+s24+$0x0] =	vst.idx.msk $0xffff, v29;
	v44 =	vadd.f32 v40, v15  }
0xfc: {  	v46 =	vor.u32 v34, v45;
	v29 =	vld [tilespmem:s19+$0x10];
	[tilespmem:v18+s24+$0x0] =	vst.idx.msk $0xffff, v42  }
0xfd: {  	v47 =	vadd.s32 v9, v17;
	v48 =	vld [tilespmem:s22+$0x10];
	[tilespmem:v37+s24+$0x0] =	vst.idx.msk $0xffff, v44  }
0xfe: {  	v50 =	vadd.s32 v9, v30;
	v49 =	vor.u32 v25, v47;
	v51 =	vld [tilespmem:s5+$0x10]  }
0xff: {  	v32 =	vadd.f32 v43, v14;
	v20 =	vor.u32 v16, v50;
	v52 =	vadd.s32 v9, v22  }
0x100: {  	v36 =	vor.u32 v24, v52  }
0x101: {  	[tilespmem:v46+s24+$0x0] =	vst.idx.msk $0xffff, v32;
	v29 =	vadd.f32 v29, v14  }
0x102: {  	v56 =	vld [tilespmem:s17+$0x20];
	v54 =	vadd.f32 v48, v14  }
0x103: {  	v59 =	vadd.s32 v7, v35;
	v53 =	vld [tilespmem:s1+$0x30];
	[tilespmem:v49+s24+$0x0] =	vst.idx.msk $0xffff, v29;
	v57 =	vadd.f32 v51, v14  }
0x104: {  	v55 =	vadd.s32 v6, v26;
	v61 =	vor.u32 v34, v59;
	v60 =	vld [tilespmem:s19+$0x20];
	[tilespmem:v20+s24+$0x0] =	vst.idx.msk $0xffff, v54  }
0x105: {  	v62 =	vadd.s32 v7, v17;
	v58 =	vor.u32 v27, v55;
	v63 =	vld [tilespmem:s22+$0x20];
	[tilespmem:v36+s24+$0x0] =	vst.idx.msk $0xffff, v57  }
0x106: {  	v38 =	vadd.s32 v7, v30;
	v36 =	vor.u32 v25, v62;
	v39 =	vld [tilespmem:s5+$0x20]  }
0x107: {  	v41 =	vadd.s32 v7, v22;
	v26 =	vadd.f32 v56, v13;
	v20 =	vor.u32 v16, v38  }
0x108: {  	v33 =	vor.u32 v24, v41;
	v40 =	vadd.f32 v53, v12  }
0x109: {  	s20 =	sadd.s32 $0x3, s20;
	[tilespmem:v61+s24+$0x0] =	vst.idx.msk $0xffff, v26;
	v42 =	vadd.f32 v60, v13  }
0x10a: {  	v43 =	vmov s20;
	v26 =	vld [tilespmem:s17+$0x30];
	[tilespmem:v58+s24+$0x0] =	vst.idx.msk $0xffff, v40;
	v44 =	vadd.f32 v63, v13  }
0x10b: {  	v47 =	vadd.s32 v6, v35;
	v23 =	vand.u32 $0x78, v43;
	v32 =	vld [tilespmem:s1+$0x40];
	[tilespmem:v36+s24+$0x0] =	vst.idx.msk $0xffff, v42;
	v45 =	vadd.f32 v39, v13  }
0x10c: {  	v17 =	vadd.s32 v6, v17;
	v46 =	vadd.s32 v11, v23;
	[tilespmem:v20+s24+$0x0] =	vst.idx.msk $0xffff, v44;
	v48 =	vld [tilespmem:s19+$0x30]  }
0x10d: {  	s18 =	sadd.s32 $0x3, s21;
	v50 =	vor.u32 v25, v17;
	v15 =	vor.u32 v34, v47;
	v20 =	vld [tilespmem:s22+$0x30];
	[tilespmem:v33+s24+$0x0] =	vst.idx.msk $0xffff, v45  }
0x10e: {  	v55 =	vmov s18;
	v18 =	vand.u32 $0x7, v43;
	v51 =	vadd.s32 v6, v30;
	v52 =	vld [tilespmem:s5+$0x30]  }
0x10f: {  	s20 =	sadd.s32 $0x3, s23;
	s23 =	sadd.s32 $0x3, s15;
	v49 =	vor.u32 v18, v46;
	v54 =	vadd.s32 v6, v22;
	v16 =	vor.u32 v16, v51  }
0x110: {  	v37 =	vmov s23;
	v26 =	vadd.f32 v26, v12;
	v17 =	vor.u32 v24, v54  }
0x111: {  	v22 =	vand.u32 $0x78, v55;
	v53 =	vadd.f32 v32, v10;
	v29 =	vadd.f32 v48, v12  }
0x112: {  	[tilespmem:v15+s24+$0x0] =	vst.idx.msk $0xffff, v26;
	v24 =	vand.u32 $0x7, v55;
	v56 =	vadd.s32 v11, v22;
	v20 =	vadd.f32 v20, v12  }
0x113: {  	s21 =	sadd.s32 $0x3, s6;
	v58 =	vld [tilespmem:s17+$0x40];
	v32 =	vand.u32 $0x78, v37;
	v57 =	vmov s20;
	[tilespmem:v50+s24+$0x0] =	vst.idx.msk $0xffff, v29;
	v59 =	vadd.f32 v52, v12  }
0x114: {  	v15 =	vor.u32 v24, v56;
	v62 =	vmov s21;
	v14 =	vand.u32 $0x78, v57;
	[tilespmem:v16+s24+$0x0] =	vst.idx.msk $0xffff, v20;
	v60 =	vld [tilespmem:s19+$0x40]  }
0x115: {  	v25 =	vand.u32 $0x7, v57;
	v61 =	vadd.s32 v11, v14;
	v20 =	vand.u32 $0x78, v62;
	v36 =	vld [tilespmem:s22+$0x40];
	[tilespmem:v17+s24+$0x0] =	vst.idx.msk $0xffff, v59  }
0x116: {  	v63 =	vor.u32 v25, v61;
	v12 =	vand.u32 $0x7, v62;
	v38 =	vadd.s32 v11, v20;
	v39 =	vld [tilespmem:s5+$0x40]  }
0x117: {  	v40 =	vadd.s32 v11, v32;
	v33 =	vand.u32 $0x7, v37;
	v17 =	vor.u32 v12, v38  }
0x118: {  	v30 =	vadd.f32 v58, v10;
	v11 =	vor.u32 v33, v40  }
0x119: {  	[tilespmem:v49+s24+$0x0] =	vst.idx.msk $0xffff, v53;
	v41 =	vadd.f32 v60, v10  }
0x11a: {  	v42 =	vld [tilespmem:s1+$0x50];
	[tilespmem:v15+s24+$0x0] =	vst.idx.msk $0xffff, v30;
	v43 =	vadd.f32 v36, v10  }
0x11b: {  	v44 =	vadd.s32 v9, v23;
	v45 =	vld [tilespmem:s17+$0x50];
	[tilespmem:v63+s24+$0x0] =	vst.idx.msk $0xffff, v41;
	v46 =	vadd.f32 v39, v10  }
0x11c: {  	v47 =	vor.u32 v18, v44;
	v48 =	vadd.s32 v9, v22;
	[tilespmem:v17+s24+$0x0] =	vst.idx.msk $0xffff, v43;
	v49 =	vld [tilespmem:s19+$0x50]  }
0x11d: {  	v51 =	vadd.s32 v9, v14;
	v50 =	vor.u32 v24, v48;
	v17 =	vld [tilespmem:s22+$0x50];
	[tilespmem:v11+s24+$0x0] =	vst.idx.msk $0xffff, v46  }
0x11e: {  	v52 =	vor.u32 v25, v51;
	v53 =	vadd.s32 v9, v20;
	v54 =	vld [tilespmem:s5+$0x50]  }
0x11f: {  	v55 =	vadd.s32 v9, v32;
	v26 =	vadd.f32 v42, v8;
	v11 =	vor.u32 v12, v53  }
0x120: {  	[tilespmem:v28+s24+$0x0] =	vst.idx.msk $0xffff, v31;
	v56 =	vadd.f32 v45, v8;
	v9 =	vor.u32 v33, v55  }
0x121: {  	v57 =	vld [tilespmem:s0+$0x60];
	v58 =	vadd.s32 v7, v21;
	[tilespmem:v47+s24+$0x0] =	vst.idx.msk $0xffff, v26;
	v59 =	vadd.f32 v49, v8  }
0x122: {  	v61 =	vld [tilespmem:s1+$0x60];
	[tilespmem:v50+s24+$0x0] =	vst.idx.msk $0xffff, v56;
	v60 =	vor.u32 v19, v58;
	v62 =	vadd.f32 v17, v8  }
0x123: {  	v28 =	vld [tilespmem:s17+$0x60];
	v63 =	vadd.s32 v7, v23;
	[tilespmem:v52+s24+$0x0] =	vst.idx.msk $0xffff, v59;
	v34 =	vadd.f32 v54, v8  }
0x124: {  	v36 =	vadd.s32 v7, v22;
	v35 =	vor.u32 v18, v63;
	[tilespmem:v11+s24+$0x0] =	vst.idx.msk $0xffff, v62;
	v37 =	vld [tilespmem:s19+$0x60]  }
0x125: {  	v38 =	vor.u32 v24, v36;
	v39 =	vadd.s32 v7, v14;
	v15 =	vld [tilespmem:s22+$0x60];
	[tilespmem:v9+s24+$0x0] =	vst.idx.msk $0xffff, v34  }
0x126: {  	v40 =	vadd.f32 v57, v5;
	v42 =	vadd.s32 v7, v20;
	v41 =	vor.u32 v25, v39;
	v43 =	vld [tilespmem:s5+$0x60]  }
0x127: {  	v44 =	vadd.s32 v7, v32;
	v13 =	vor.u32 v12, v42;
	v27 =	vadd.f32 v61, v5  }
0x128: {  	v7 =	vor.u32 v33, v44;
	[tilespmem:v60+s24+$0x0] =	vst.idx.msk $0xffff, v40;
	v45 =	vadd.f32 v28, v5  }
0x129: {  	v51 =	vadd.s32 v6, v23;
	v26 =	vld [tilespmem:s0+$0x70];
	[tilespmem:v35+s24+$0x0] =	vst.idx.msk $0xffff, v27;
	v47 =	vadd.f32 v37, v5  }
0x12a: {  	v46 =	vadd.s32 v6, v21;
	[tilespmem:v38+s24+$0x0] =	vst.idx.msk $0xffff, v45;
	v49 =	vld [tilespmem:s1+$0x70];
	v50 =	vadd.f32 v15, v5  }
0x12b: {  	v48 =	vor.u32 v19, v46;
	v52 =	vld [tilespmem:s17+$0x70];
	[tilespmem:v41+s24+$0x0] =	vst.idx.msk $0xffff, v47;
	v5 =	vadd.f32 v43, v5  }
0x12c: {  	v53 =	vor.u32 v18, v51;
	v54 =	vadd.s32 v6, v22;
	[tilespmem:v13+s24+$0x0] =	vst.idx.msk $0xffff, v50;
	v55 =	vld [tilespmem:s19+$0x70]  }
0x12d: {  	v57 =	vadd.s32 v6, v14;
	v56 =	vor.u32 v24, v54;
	v13 =	vld [tilespmem:s22+$0x70];
	[tilespmem:v7+s24+$0x0] =	vst.idx.msk $0xffff, v5  }
0x12e: {  	v58 =	vor.u32 v25, v57;
	v59 =	vadd.s32 v6, v20;
	v5 =	vadd.f32 v26, v4;
	v60 =	vld [tilespmem:s5+$0x70]  }
0x12f: {  	v62 =	vadd.s32 v6, v32;
	v10 =	vor.u32 v12, v59;
	v61 =	vadd.f32 v49, v4  }
0x130: {  	v6 =	vor.u32 v33, v62;
	[tilespmem:v48+s24+$0x0] =	vst.idx.msk $0xffff, v5;
	v5 =	vadd.f32 v52, v4  }
0x131: {  	[tilespmem:v53+s24+$0x0] =	vst.idx.msk $0xffff, v61;
	v63 =	vadd.f32 v55, v4  }
0x132: {  	s6 =	smul.u32 $0x8800, s31;
	[tilespmem:v56+s24+$0x0] =	vst.idx.msk $0xffff, v5;
	v5 =	vadd.f32 v13, v4  }
0x133: {  	s15 =	sshll.u32 s30, $0xF;
	[tilespmem:v58+s24+$0x0] =	vst.idx.msk $0xffff, v63;
	v4 =	vadd.f32 v60, v4  }
0x134: {  	s1 =	sshrl.u32 s6, $0x2;
	s5 =	sor.u32 s7, s15;
	[tilespmem:v10+s24+$0x0] =	vst.idx.msk $0xffff, v5  }
0x135: {  	s0 =	sadd.s32 $0x5, s31;
	s16 =	sadd.s32 $0x1AC00, s1;
	s6 =	sadd.s32 s2, s5;
	[tilespmem:v6+s24+$0x0] =	vst.idx.msk $0xffff, v4  }
0x136: {  	[hbm4b:s6+s3] =	stream.linear.scatter [tilespmem:s16], [sflag:s0], $0x80, $0x38;
	[tilespmem:$0x1F000] =	vst v63  }
0x137: {  	s17 =	sadd.s32 $0x1AC88, s1;
	s18 =	sadd.s32 $0x10, s6  }
0x138: {  	[hbm4b:s18+s3] =	stream.linear.scatter [tilespmem:s17], [sflag:s0], $0x80, $0x38;
	[tilespmem:$0x1F000] =	vst v63  }
0x139: {  	s19 =	sadd.s32 $0x1AD10, s1;
	s20 =	sadd.s32 $0x20, s6  }
0x13a: {  	[hbm4b:s20+s3] =	stream.linear.scatter [tilespmem:s19], [sflag:s0], $0x80, $0x38;
	[tilespmem:$0x1F000] =	vst v63  }
0x13b: {  	s21 =	sadd.s32 $0x1AD98, s1;
	s22 =	sadd.s32 $0x30, s6  }
0x13c: {  	[hbm4b:s22+s3] =	stream.linear.scatter [tilespmem:s21], [sflag:s0], $0x80, $0x38;
	[tilespmem:$0x1F000] =	vst v63  }
0x13d: {  	s23 =	sadd.s32 $0x1AE20, s1;
	s31 =	sadd.s32 $0x40, s6  }
0x13e: {  	[hbm4b:s31+s3] =	stream.linear.scatter [tilespmem:s23], [sflag:s0], $0x80, $0x38;
	[tilespmem:$0x1F000] =	vst v63  }
0x13f: {  	s17 =	sadd.s32 $0x1AEA8, s1;
	s18 =	sadd.s32 $0x50, s6  }
0x140: {  	[hbm4b:s18+s3] =	stream.linear.scatter [tilespmem:s17], [sflag:s0], $0x80, $0x38;
	[tilespmem:$0x1F000] =	vst v63  }
0x141: {  	s19 =	sadd.s32 $0x1AF30, s1;
	s20 =	sadd.s32 $0x60, s6  }
0x142: {  	[hbm4b:s20+s3] =	stream.linear.scatter [tilespmem:s19], [sflag:s0], $0x80, $0x38;
	[tilespmem:$0x1F000] =	vst v63  }
0x143: {  	s6 =	sadd.s32 $0x70, s6;
	s21 =	sadd.s32 $0x1AFB8, s1  }
0x144: {  	[hbm4b:s6+s3] =	stream.linear.scatter [tilespmem:s21], [sflag:s0], $0x80, $0x38;
	[tilespmem:$0x1F000] =	vst v63  }
0x145: {  	s22 =	sadd.s32 $0x1B040, s1;
	s6 =	sadd.s32 s5, s8  }
0x146: {  	[hbm4b:s6+s3] =	stream.linear.scatter [tilespmem:s22], [sflag:s0], $0x80, $0x38;
	[tilespmem:$0x1F000] =	vst v63  }
0x147: {  	s23 =	sadd.s32 $0x1B0C8, s1;
	s31 =	sadd.s32 $0x10, s6  }
0x148: {  	[hbm4b:s31+s3] =	stream.linear.scatter [tilespmem:s23], [sflag:s0], $0x80, $0x38;
	[tilespmem:$0x1F000] =	vst v63  }
0x149: {  	s17 =	sadd.s32 $0x1B150, s1;
	s18 =	sadd.s32 $0x20, s6  }
0x14a: {  	[hbm4b:s18+s3] =	stream.linear.scatter [tilespmem:s17], [sflag:s0], $0x80, $0x38;
	[tilespmem:$0x1F000] =	vst v63  }
0x14b: {  	s19 =	sadd.s32 $0x1B1D8, s1;
	s20 =	sadd.s32 $0x30, s6  }
0x14c: {  	[hbm4b:s20+s3] =	stream.linear.scatter [tilespmem:s19], [sflag:s0], $0x80, $0x38;
	[tilespmem:$0x1F000] =	vst v63  }
0x14d: {  	s21 =	sadd.s32 $0x1B260, s1;
	s22 =	sadd.s32 $0x40, s6  }
0x14e: {  	[hbm4b:s22+s3] =	stream.linear.scatter [tilespmem:s21], [sflag:s0], $0x80, $0x38;
	[tilespmem:$0x1F000] =	vst v63  }
0x14f: {  	s23 =	sadd.s32 $0x1B2E8, s1;
	s31 =	sadd.s32 $0x50, s6  }
0x150: {  	[hbm4b:s31+s3] =	stream.linear.scatter [tilespmem:s23], [sflag:s0], $0x80, $0x38;
	[tilespmem:$0x1F000] =	vst v63  }
0x151: {  	s17 =	sadd.s32 $0x1B370, s1;
	s18 =	sadd.s32 $0x60, s6  }
0x152: {  	[hbm4b:s18+s3] =	stream.linear.scatter [tilespmem:s17], [sflag:s0], $0x80, $0x38;
	[tilespmem:$0x1F000] =	vst v63  }
0x153: {  	s6 =	sadd.s32 $0x70, s6;
	s19 =	sadd.s32 $0x1B3F8, s1  }
0x154: {  	[hbm4b:s6+s3] =	stream.linear.scatter [tilespmem:s19], [sflag:s0], $0x80, $0x38;
	[tilespmem:$0x1F000] =	vst v63  }
0x155: {  	s20 =	sadd.s32 $0x1B480, s1;
	s6 =	sadd.s32 s5, s9  }
0x156: {  	[hbm4b:s6+s3] =	stream.linear.scatter [tilespmem:s20], [sflag:s0], $0x80, $0x38;
	[tilespmem:$0x1F000] =	vst v63  }
0x157: {  	s21 =	sadd.s32 $0x1B508, s1;
	s22 =	sadd.s32 $0x10, s6  }
0x158: {  	[hbm4b:s22+s3] =	stream.linear.scatter [tilespmem:s21], [sflag:s0], $0x80, $0x38;
	[tilespmem:$0x1F000] =	vst v63  }
0x159: {  	s23 =	sadd.s32 $0x1B590, s1;
	s31 =	sadd.s32 $0x20, s6  }
0x15a: {  	[hbm4b:s31+s3] =	stream.linear.scatter [tilespmem:s23], [sflag:s0], $0x80, $0x38;
	[tilespmem:$0x1F000] =	vst v63  }
0x15b: {  	s16 =	sadd.s32 $0x1B618, s1;
	s17 =	sadd.s32 $0x30, s6  }
0x15c: {  	[hbm4b:s17+s3] =	stream.linear.scatter [tilespmem:s16], [sflag:s0], $0x80, $0x38;
	[tilespmem:$0x1F000] =	vst v63  }
0x15d: {  	s18 =	sadd.s32 $0x1B6A0, s1;
	s19 =	sadd.s32 $0x40, s6  }
0x15e: {  	[hbm4b:s19+s3] =	stream.linear.scatter [tilespmem:s18], [sflag:s0], $0x80, $0x38;
	[tilespmem:$0x1F000] =	vst v63  }
0x15f: {  	s20 =	sadd.s32 $0x1B728, s1;
	s21 =	sadd.s32 $0x50, s6  }
0x160: {  	[hbm4b:s21+s3] =	stream.linear.scatter [tilespmem:s20], [sflag:s0], $0x80, $0x38;
	[tilespmem:$0x1F000] =	vst v63  }
0x161: {  	s22 =	sadd.s32 $0x1B7B0, s1;
	s23 =	sadd.s32 $0x60, s6  }
0x162: {  	[hbm4b:s23+s3] =	stream.linear.scatter [tilespmem:s22], [sflag:s0], $0x80, $0x38;
	[tilespmem:$0x1F000] =	vst v63  }
0x163: {  	s31 =	sadd.s32 $0x1B838, s1;
	s6 =	sadd.s32 $0x70, s6  }
0x164: {  	[hbm4b:s6+s3] =	stream.linear.scatter [tilespmem:s31], [sflag:s0], $0x80, $0x38;
	[tilespmem:$0x1F000] =	vst v63  }
0x165: {  	s16 =	sadd.s32 $0x1B8C0, s1;
	s6 =	sadd.s32 s5, s10  }
0x166: {  	[hbm4b:s6+s3] =	stream.linear.scatter [tilespmem:s16], [sflag:s0], $0x80, $0x38;
	[tilespmem:$0x1F000] =	vst v63  }
0x167: {  	s17 =	sadd.s32 $0x1B948, s1;
	s18 =	sadd.s32 $0x10, s6  }
0x168: {  	[hbm4b:s18+s3] =	stream.linear.scatter [tilespmem:s17], [sflag:s0], $0x80, $0x38;
	[tilespmem:$0x1F000] =	vst v63  }
0x169: {  	s19 =	sadd.s32 $0x1B9D0, s1;
	s20 =	sadd.s32 $0x20, s6  }
0x16a: {  	[hbm4b:s20+s3] =	stream.linear.scatter [tilespmem:s19], [sflag:s0], $0x80, $0x38;
	[tilespmem:$0x1F000] =	vst v63  }
0x16b: {  	s21 =	sadd.s32 $0x1BA58, s1;
	s22 =	sadd.s32 $0x30, s6  }
0x16c: {  	[hbm4b:s22+s3] =	stream.linear.scatter [tilespmem:s21], [sflag:s0], $0x80, $0x38;
	[tilespmem:$0x1F000] =	vst v63  }
0x16d: {  	s23 =	sadd.s32 $0x1BAE0, s1;
	s31 =	sadd.s32 $0x40, s6  }
0x16e: {  	[hbm4b:s31+s3] =	stream.linear.scatter [tilespmem:s23], [sflag:s0], $0x80, $0x38;
	[tilespmem:$0x1F000] =	vst v63  }
0x16f: {  	s17 =	sadd.s32 $0x1BB68, s1;
	s18 =	sadd.s32 $0x50, s6  }
0x170: {  	[hbm4b:s18+s3] =	stream.linear.scatter [tilespmem:s17], [sflag:s0], $0x80, $0x38;
	[tilespmem:$0x1F000] =	vst v63  }
0x171: {  	s19 =	sadd.s32 $0x1BBF0, s1;
	s20 =	sadd.s32 $0x60, s6  }
0x172: {  	[hbm4b:s20+s3] =	stream.linear.scatter [tilespmem:s19], [sflag:s0], $0x80, $0x38;
	[tilespmem:$0x1F000] =	vst v63  }
0x173: {  	s6 =	sadd.s32 $0x70, s6;
	s21 =	sadd.s32 $0x1BC78, s1  }
0x174: {  	[hbm4b:s6+s3] =	stream.linear.scatter [tilespmem:s21], [sflag:s0], $0x80, $0x38;
	[tilespmem:$0x1F000] =	vst v63  }
0x175: {  	s22 =	sadd.s32 $0x1BD00, s1;
	s6 =	sadd.s32 s5, s11  }
0x176: {  	[hbm4b:s6+s3] =	stream.linear.scatter [tilespmem:s22], [sflag:s0], $0x80, $0x38;
	[tilespmem:$0x1F000] =	vst v63  }
0x177: {  	s23 =	sadd.s32 $0x1BD88, s1;
	s31 =	sadd.s32 $0x10, s6  }
0x178: {  	[hbm4b:s31+s3] =	stream.linear.scatter [tilespmem:s23], [sflag:s0], $0x80, $0x38;
	[tilespmem:$0x1F000] =	vst v63  }
0x179: {  	s17 =	sadd.s32 $0x1BE10, s1;
	s18 =	sadd.s32 $0x20, s6  }
0x17a: {  	[hbm4b:s18+s3] =	stream.linear.scatter [tilespmem:s17], [sflag:s0], $0x80, $0x38;
	[tilespmem:$0x1F000] =	vst v63  }
0x17b: {  	s19 =	sadd.s32 $0x1BE98, s1;
	s20 =	sadd.s32 $0x30, s6  }
0x17c: {  	[hbm4b:s20+s3] =	stream.linear.scatter [tilespmem:s19], [sflag:s0], $0x80, $0x38;
	[tilespmem:$0x1F000] =	vst v63  }
0x17d: {  	s21 =	sadd.s32 $0x1BF20, s1;
	s22 =	sadd.s32 $0x40, s6  }
0x17e: {  	[hbm4b:s22+s3] =	stream.linear.scatter [tilespmem:s21], [sflag:s0], $0x80, $0x38;
	[tilespmem:$0x1F000] =	vst v63  }
0x17f: {  	s23 =	sadd.s32 $0x1BFA8, s1;
	s31 =	sadd.s32 $0x50, s6  }
0x180: {  	[hbm4b:s31+s3] =	stream.linear.scatter [tilespmem:s23], [sflag:s0], $0x80, $0x38;
	[tilespmem:$0x1F000] =	vst v63  }
0x181: {  	s17 =	sor.u32 $0x1C030, s1;
	s18 =	sadd.s32 $0x60, s6  }
0x182: {  	[hbm4b:s18+s3] =	stream.linear.scatter [tilespmem:s17], [sflag:s0], $0x80, $0x38;
	[tilespmem:$0x1F000] =	vst v63  }
0x183: {  	s6 =	sadd.s32 $0x70, s6;
	s19 =	sor.u32 $0x1C0B8, s1  }
0x184: {  	[hbm4b:s6+s3] =	stream.linear.scatter [tilespmem:s19], [sflag:s0], $0x80, $0x38;
	[tilespmem:$0x1F000] =	vst v63  }
0x185: {  	s20 =	sor.u32 $0x1C140, s1;
	s6 =	sadd.s32 s5, s12  }
0x186: {  	[hbm4b:s6+s3] =	stream.linear.scatter [tilespmem:s20], [sflag:s0], $0x80, $0x38;
	[tilespmem:$0x1F000] =	vst v63  }
0x187: {  	s21 =	sor.u32 $0x1C1C8, s1;
	s22 =	sadd.s32 $0x10, s6  }
0x188: {  	[hbm4b:s22+s3] =	stream.linear.scatter [tilespmem:s21], [sflag:s0], $0x80, $0x38;
	[tilespmem:$0x1F000] =	vst v63  }
0x189: {  	s23 =	sadd.s32 $0x1C250, s1;
	s31 =	sadd.s32 $0x20, s6  }
0x18a: {  	[hbm4b:s31+s3] =	stream.linear.scatter [tilespmem:s23], [sflag:s0], $0x80, $0x38;
	[tilespmem:$0x1F000] =	vst v63  }
0x18b: {  	s16 =	sadd.s32 $0x1C2D8, s1;
	s17 =	sadd.s32 $0x30, s6  }
0x18c: {  	[hbm4b:s17+s3] =	stream.linear.scatter [tilespmem:s16], [sflag:s0], $0x80, $0x38;
	[tilespmem:$0x1F000] =	vst v63  }
0x18d: {  	s18 =	sadd.s32 $0x1C360, s1;
	s19 =	sadd.s32 $0x40, s6  }
0x18e: {  	[hbm4b:s19+s3] =	stream.linear.scatter [tilespmem:s18], [sflag:s0], $0x80, $0x38;
	[tilespmem:$0x1F000] =	vst v63  }
0x18f: {  	s20 =	sadd.s32 $0x1C3E8, s1;
	s21 =	sadd.s32 $0x50, s6  }
0x190: {  	[hbm4b:s21+s3] =	stream.linear.scatter [tilespmem:s20], [sflag:s0], $0x80, $0x38;
	[tilespmem:$0x1F000] =	vst v63  }
0x191: {  	s22 =	sadd.s32 $0x1C470, s1;
	s23 =	sadd.s32 $0x60, s6  }
0x192: {  	[hbm4b:s23+s3] =	stream.linear.scatter [tilespmem:s22], [sflag:s0], $0x80, $0x38;
	[tilespmem:$0x1F000] =	vst v63  }
0x193: {  	s31 =	sadd.s32 $0x1C4F8, s1;
	s6 =	sadd.s32 $0x70, s6  }
0x194: {  	[hbm4b:s6+s3] =	stream.linear.scatter [tilespmem:s31], [sflag:s0], $0x80, $0x38;
	[tilespmem:$0x1F000] =	vst v63  }
0x195: {  	s16 =	sadd.s32 $0x1C580, s1;
	s6 =	sadd.s32 s5, s13  }
0x196: {  	[hbm4b:s6+s3] =	stream.linear.scatter [tilespmem:s16], [sflag:s0], $0x80, $0x38;
	[tilespmem:$0x1F000] =	vst v63  }
0x197: {  	s17 =	sadd.s32 $0x1C608, s1;
	s18 =	sadd.s32 $0x10, s6  }
0x198: {  	[hbm4b:s18+s3] =	stream.linear.scatter [tilespmem:s17], [sflag:s0], $0x80, $0x38;
	[tilespmem:$0x1F000] =	vst v63  }
0x199: {  	s19 =	sadd.s32 $0x1C690, s1;
	s20 =	sadd.s32 $0x20, s6  }
0x19a: {  	[hbm4b:s20+s3] =	stream.linear.scatter [tilespmem:s19], [sflag:s0], $0x80, $0x38;
	[tilespmem:$0x1F000] =	vst v63  }
0x19b: {  	s21 =	sadd.s32 $0x1C718, s1;
	s22 =	sadd.s32 $0x30, s6  }
0x19c: {  	[hbm4b:s22+s3] =	stream.linear.scatter [tilespmem:s21], [sflag:s0], $0x80, $0x38;
	[tilespmem:$0x1F000] =	vst v63  }
0x19d: {  	s23 =	sadd.s32 $0x1C7A0, s1;
	s31 =	sadd.s32 $0x40, s6  }
0x19e: {  	[hbm4b:s31+s3] =	stream.linear.scatter [tilespmem:s23], [sflag:s0], $0x80, $0x38;
	[tilespmem:$0x1F000] =	vst v63  }
0x19f: {  	s17 =	sadd.s32 $0x1C828, s1;
	s18 =	sadd.s32 $0x50, s6  }
0x1a0: {  	[hbm4b:s18+s3] =	stream.linear.scatter [tilespmem:s17], [sflag:s0], $0x80, $0x38;
	[tilespmem:$0x1F000] =	vst v63  }
0x1a1: {  	s19 =	sadd.s32 $0x1C8B0, s1;
	s20 =	sadd.s32 $0x60, s6  }
0x1a2: {  	[hbm4b:s20+s3] =	stream.linear.scatter [tilespmem:s19], [sflag:s0], $0x80, $0x38;
	[tilespmem:$0x1F000] =	vst v63  }
0x1a3: {  	s6 =	sadd.s32 $0x70, s6;
	s21 =	sadd.s32 $0x1C938, s1  }
0x1a4: {  	[hbm4b:s6+s3] =	stream.linear.scatter [tilespmem:s21], [sflag:s0], $0x80, $0x38;
	[tilespmem:$0x1F000] =	vst v63  }
0x1a5: {  	s5 =	sadd.s32 s5, s14;
	s22 =	sadd.s32 $0x1C9C0, s1  }
0x1a6: {  	[hbm4b:s5+s3] =	stream.linear.scatter [tilespmem:s22], [sflag:s0], $0x80, $0x38;
	[tilespmem:$0x1F000] =	vst v63  }
0x1a7: {  	s23 =	sadd.s32 $0x1CA48, s1;
	s31 =	sadd.s32 $0x10, s5  }
0x1a8: {  	[hbm4b:s31+s3] =	stream.linear.scatter [tilespmem:s23], [sflag:s0], $0x80, $0x38;
	[tilespmem:$0x1F000] =	vst v63  }
0x1a9: {  	s15 =	sadd.s32 $0x1CAD0, s1;
	s16 =	sadd.s32 $0x20, s5  }
0x1aa: {  	[hbm4b:s16+s3] =	stream.linear.scatter [tilespmem:s15], [sflag:s0], $0x80, $0x38;
	[tilespmem:$0x1F000] =	vst v63  }
0x1ab: {  	s17 =	sadd.s32 $0x1CB58, s1;
	s18 =	sadd.s32 $0x30, s5  }
0x1ac: {  	[hbm4b:s18+s3] =	stream.linear.scatter [tilespmem:s17], [sflag:s0], $0x80, $0x38;
	[tilespmem:$0x1F000] =	vst v63  }
0x1ad: {  	s19 =	sadd.s32 $0x1CBE0, s1;
	s20 =	sadd.s32 $0x40, s5  }
0x1ae: {  	[hbm4b:s20+s3] =	stream.linear.scatter [tilespmem:s19], [sflag:s0], $0x80, $0x38;
	[tilespmem:$0x1F000] =	vst v63  }
0x1af: {  	s21 =	sadd.s32 $0x1CC68, s1;
	s22 =	sadd.s32 $0x50, s5  }
0x1b0: {  	[hbm4b:s22+s3] =	stream.linear.scatter [tilespmem:s21], [sflag:s0], $0x80, $0x38;
	[tilespmem:$0x1F000] =	vst v63  }
0x1b1: {  	s23 =	sadd.s32 $0x1CCF0, s1;
	s31 =	sadd.s32 $0x60, s5  }
0x1b2: {  	[hbm4b:s31+s3] =	stream.linear.scatter [tilespmem:s23], [sflag:s0], $0x80, $0x38;
	[tilespmem:$0x1F000] =	vst v63  }
0x1b3: {  	p0 =	sgt.u32 s30, $0xC4;
	s1 =	sadd.s32 $0x1CD78, s1;
	s5 =	sadd.s32 $0x70, s5  }
0x1b4: {  	[hbm4b:s5+s3] =	stream.linear.scatter [tilespmem:s1], [sflag:s0], $0x80, $0x38;
	[tilespmem:$0x1F000] =	vst v63  }
0x1b5: {  	s0 =	sadd.s32 @!p0 $0x3, s30  }
0x1b6: {  	s6 =	simm.s32 @!p0 $0x80;
	s1 =	sand.u32 @!p0 $0x3, s0  }
0x1b7: {  	s30 =	sadd.s32 $0x1, s30;
	s0 =	sshll.u32 @!p0 s0, $0x7;
	s5 =	sshll.u32 @!p0 s1, $0xD  }
0x1b8: {  	s0 =	sand.u32 @!p0 $0x3FFFFF80, s0;
	s1 =	sadd.s32 @!p0 $0x1, s1;
	s5 =	sadd.s32 @!p0 $0x12C00, s5  }
0x1b9: {  	[tilespmem:s5], [sflag:s1] =	stream.indirect.gather @!p0 [hbm4b:s4+s6], $0x40, s0, s6, $0xb8;
	[tilespmem:$0x1F000] =	vst v63  }
0x1ba: {  	p0 =	sne.s32 s30, $0xC8  }
.Ltmp1:
0x1bb: {  	_ = 	snop;
	(pc) =	sbr.rel @p0 .LBB2_2-.Ltmp1, $2  }
0x1bc: {  	_ =	sdelay $0x2  }
0x1bd: {  	s29 =	sadd.s32 $0x1, s29  }
0x1be: {  	_ =	swait.ge [sflag:s25], $0x400  }
0x1bf: {  	[sflag:s25] =	ssyncset.done $0x0  }
0x1c0: {  	[sflag:s25] =	ssyncadd.s32 $0xFFFFFC00  }
0x1c1: {  	_ =	swait.ge [sflag:s25], $0x400  }
0x1c2: {  	[sflag:s25] =	ssyncset.done $0x0  }
0x1c3: {  	[sflag:s25] =	ssyncadd.s32 $0xFFFFFC00  }
0x1c4: {  	_ =	swait.ge [sflag:s25], $0x400  }
0x1c5: {  	[sflag:s25] =	ssyncset.done $0x0  }
0x1c6: {  	[sflag:s25] =	ssyncadd.s32 $0xFFFFFC00  }
0x1c7: {  	_ =	swait.ge [sflag:s25], $0x400  }
0x1c8: {  	[sflag:s25] =	ssyncset.done $0x0  }
0x1c9: {  	[sflag:s25] =	ssyncadd.s32 $0xFFFFFC00  }
0x1ca: {  	_ =	swait.ge [sflag:s25], $0x400  }
0x1cb: {  	[sflag:s25] =	ssyncset.done $0x0  }
0x1cc: {  	[sflag:s25] =	ssyncadd.s32 $0xFFFFFC00  }
0x1cd: {  	_ =	swait.ge [sflag:s25], $0x400  }
0x1ce: {  	[sflag:s25] =	ssyncset.done $0x0  }
0x1cf: {  	[sflag:s25] =	ssyncadd.s32 $0xFFFFFC00  }
0x1d0: {  	_ =	swait.ge [sflag:s25], $0x400  }
0x1d1: {  	[sflag:s25] =	ssyncset.done $0x0  }
0x1d2: {  	[sflag:s25] =	ssyncadd.s32 $0xFFFFFC00  }
0x1d3: {  	_ =	swait.ge [sflag:s25], $0x400  }
0x1d4: {  	[sflag:s25] =	ssyncset.done $0x0  }
0x1d5: {  	[sflag:s25] =	ssyncadd.s32 $0xFFFFFC00  }
0x1d6: {  	_ =	swait.ge [sflag:s26], $0x400  }
0x1d7: {  	[sflag:s26] =	ssyncset.done $0x0  }
0x1d8: {  	[sflag:s26] =	ssyncadd.s32 $0xFFFFFC00  }
0x1d9: {  	_ =	swait.ge [sflag:s26], $0x400  }
0x1da: {  	[sflag:s26] =	ssyncset.done $0x0  }
0x1db: {  	[sflag:s26] =	ssyncadd.s32 $0xFFFFFC00  }
0x1dc: {  	_ =	swait.ge [sflag:s26], $0x400  }
0x1dd: {  	[sflag:s26] =	ssyncset.done $0x0  }
0x1de: {  	[sflag:s26] =	ssyncadd.s32 $0xFFFFFC00  }
0x1df: {  	_ =	swait.ge [sflag:s26], $0x400  }
0x1e0: {  	[sflag:s26] =	ssyncset.done $0x0  }
0x1e1: {  	[sflag:s26] =	ssyncadd.s32 $0xFFFFFC00  }
0x1e2: {  	_ =	swait.ge [sflag:s26], $0x400  }
0x1e3: {  	[sflag:s26] =	ssyncset.done $0x0  }
0x1e4: {  	[sflag:s26] =	ssyncadd.s32 $0xFFFFFC00  }
0x1e5: {  	_ =	swait.ge [sflag:s26], $0x400  }
0x1e6: {  	[sflag:s26] =	ssyncset.done $0x0  }
0x1e7: {  	[sflag:s26] =	ssyncadd.s32 $0xFFFFFC00  }
0x1e8: {  	_ =	swait.ge [sflag:s26], $0x400  }
0x1e9: {  	[sflag:s26] =	ssyncset.done $0x0  }
0x1ea: {  	[sflag:s26] =	ssyncadd.s32 $0xFFFFFC00  }
0x1eb: {  	_ =	swait.ge [sflag:s26], $0x400  }
0x1ec: {  	s28 =	sadd.s32 $0x1, s28;
	s0 =	rddreg [dreg:$0x5]  }
0x1ed: {  	p0 =	sne.s32 s28, s0  }
.Ltmp2:
0x1ee: {  	_ = 	snop;
	(pc) =	sbr.rel @p0 .LBB2_1-.Ltmp2, $3  }
0x1ef: {  	_ =	sdelay $0x1  }
0x1f0: {  	[sflag:s26] =	ssyncset.done $0x0  }
0x1f1: {  	[sflag:s26] =	ssyncadd.s32 $0xFFFFFC00  }
0x1f2: {  	_ =	sfence.sel $0x180000  }
0x1f3: {  	[bflag:$0x0] =	sbarrier.arrive $0xFFFF  }
0x1f4: {  	_ =	strace $0x90000047  }
0x1f5: {  	s0 =	stileid.u32;
	[bflag:$0x2] =	sbarrier.arrive $0xFFFF  }
0x1f6: {  	p0 =	sne.s32 s0, $0x0;
	s0 =	rddreg [dreg:$0x2]  }
0x1f7: {  	s0 =	sadd.s32 @!p0 $0x100000, s0  }
0x1f8: {  	[sflag:s0] =	ssyncadd.tile.s32 @!p0 $0x1;
	_ =	shalt  }
.Lfunc_end2:
_tile_overlayer_lowered:
.L_overlay_start_2:
0x1f9: {  	(tag) =	ssettag $0x2  }
0x1fa: {  	s0 =	rddreg [dreg:$0x0];
	s2 =	stileid.u32  }
0x1fb: {  	s1 =	rddreg [dreg:$0x1];
	p0 =	sne.s32 s2, $0x0  }
0x1fc: {  	s3 =	rddreg [dreg:$0x2];
	[bflag:$0x3] =	sbarrier.arrive $0xFFFF;
	s2 =	simm.s32 @!p0 $0x1C07  }
0x1fd: {  	[timem:s3], [sflag:s2] =	dma.local @!p0 [hbm:s0], s1  }
0x1fe: {  	s0 =	simm.s32 @!p0 $0x7  }
0x1ff: {  	_ =	swait.ge @!p0 [sflag:s0], s1  }
0x200: {  	s1 =	ssub.s32 @!p0 $0x0, s1;
	[sflag:s0] =	ssyncset.done @!p0 $0x0  }
0x201: {  	[sflag:s0] =	ssyncadd.s32 @!p0 s1  }
0x202: {  	[bflag:$0x3] =	sbarrier.arrive $0xFFFF  }
0x203: {  	_ =	shalt  }

</sc_bundles>
